<compile_context>
chip_gen: v7x
topology: tpu7x:2x2x1
jax: 0.10.2.dev20260603
libtpu: 0.0.44.dev20260713+nightly
codegen_flags: <defaults>
</compile_context>

<pallas_src>
import functools

import jax
import jax.numpy as jnp
from jax import lax
from jax.experimental import pallas as pl
from jax.experimental.pallas import tpu as pltpu
from jax.experimental.pallas import tpu_sc as plsc

N_NODE = 64
TOTAL = 65536
E = 524288
D_NODE = 128
D_MSG = 16
SLOTS = TOTAL * N_NODE
WPAD = 8192
ZPAD = 8192

NC = 2
NS = 16
NW = NC * NS

_MESH = dict(core_axis_name="c", subcore_axis_name="s", num_cores=NC,
             num_subcores=NS)


def _iota16():
    return lax.iota(jnp.int32, 16)




def _k1_body(x_ref, w_ref, b_ref, o_ref):
    o_ref[...] = (
        jnp.dot(x_ref[...], w_ref[...], preferred_element_type=jnp.float32)
        + b_ref[...]
    )


def _precompute_a(node_features, mW1a_pad, mb1_pad):
    blk = 512
    return pl.pallas_call(
        _k1_body,
        grid=(TOTAL // blk,),
        in_specs=[
            pl.BlockSpec((blk, D_NODE), lambda i: (i, 0)),
            pl.BlockSpec((D_NODE, 128), lambda i: (0, 0)),
            pl.BlockSpec((1, 128), lambda i: (0, 0)),
        ],
        out_specs=pl.BlockSpec((blk, 128), lambda i: (i, 0)),
        out_shape=jax.ShapeDtypeStruct((TOTAL, 128), jnp.float32),
    )(node_features, mW1a_pad, mb1_pad.reshape(1, 128))


def _k3_body(g_ref, ef_ref, w1b_ref, w2_ref, b2_ref, o_ref):
    h = g_ref[...] + jnp.dot(
        ef_ref[...], w1b_ref[...], preferred_element_type=jnp.float32
    )
    h = jnp.maximum(h, 0.0)
    m = jnp.dot(h, w2_ref[...], preferred_element_type=jnp.float32) + b2_ref[...]
    live = (pl.program_id(0) < E // 2048).astype(jnp.float32)
    o_ref[...] = jnp.concatenate(
        [m * live, jnp.zeros((m.shape[0], 112), jnp.float32)], axis=1)


def _messages(G, edge_features, mW1b_pad, mW2_pad, mb2):
    blk = 2048
    nreal = E // blk
    clamp = lambda i: (jnp.minimum(i, nreal - 1), 0)
    return pl.pallas_call(
        _k3_body,
        grid=((E + ZPAD) // blk,),
        in_specs=[
            pl.BlockSpec((blk, 128), clamp),
            pl.BlockSpec((blk, 16), clamp),
            pl.BlockSpec((16, 128), lambda i: (0, 0)),
            pl.BlockSpec((128, 16), lambda i: (0, 0)),
            pl.BlockSpec((1, 16), lambda i: (0, 0)),
        ],
        out_specs=pl.BlockSpec((blk, 128), lambda i: (i, 0)),
        out_shape=jax.ShapeDtypeStruct((E + ZPAD, 128), jnp.float32),
    )(G, edge_features, mW1b_pad, mW2_pad, mb2.reshape(1, 16))


def _k6b_body(g_ref, ow1_ref, ob1_ref, ow2_ref, ob2_ref, o_ref):
    o = jnp.maximum(
        jnp.dot(g_ref[...], ow1_ref[...], preferred_element_type=jnp.float32)
        + ob1_ref[...],
        0.0,
    )
    o_ref[...] = (
        jnp.dot(o, ow2_ref[...], preferred_element_type=jnp.float32) + ob2_ref[...]
    )


def _k6a_jm_body(a_ref, u_ref, ub1_ref, uw2_ref, ub2_ref, o_ref, acc_ref):
    j = pl.program_id(1)

    @pl.when(j == 0)
    def _():
        acc_ref[...] = jnp.zeros_like(acc_ref)

    acc_ref[...] += jnp.dot(a_ref[...][:, :D_MSG], u_ref[0],
                            preferred_element_type=jnp.float32)

    @pl.when(j == N_NODE - 1)
    def _():
        g = jnp.maximum(acc_ref[...] + ub1_ref[...], 0.0)
        o_ref[...] = (
            jnp.dot(g, uw2_ref[...], preferred_element_type=jnp.float32)
            + ub2_ref[...]
        )


def _update_output(aggT, uW1, ub1, uW2, ub2, oW1, ob1, oW2, ob2):
    blk = 4096
    uW1r = uW1.reshape(N_NODE, D_MSG, 128)
    g = pl.pallas_call(
        _k6a_jm_body,
        grid=(TOTAL // blk, N_NODE),
        compiler_params=pltpu.CompilerParams(
            dimension_semantics=("parallel", "arbitrary")),
        in_specs=[
            pl.BlockSpec((blk, 128),
                         lambda i, j: (j * (TOTAL // blk) + i, 0)),
            pl.BlockSpec((1, D_MSG, 128), lambda i, j: (j, 0, 0)),
            pl.BlockSpec((1, 128), lambda i, j: (0, 0)),
            pl.BlockSpec((128, 16), lambda i, j: (0, 0)),
            pl.BlockSpec((1, 16), lambda i, j: (0, 0)),
        ],
        out_specs=pl.BlockSpec((blk, 16), lambda i, j: (i, 0)),
        out_shape=jax.ShapeDtypeStruct((TOTAL, 16), jnp.float32),
        scratch_shapes=[pltpu.VMEM((blk, 128), jnp.float32)],
    )(aggT, uW1r, ub1.reshape(1, 128), uW2, ub2.reshape(1, 16))
    g2 = g.reshape(TOTAL // N_NODE, N_NODE * 16)
    gblk = 256
    return pl.pallas_call(
        _k6b_body,
        grid=(TOTAL // N_NODE // gblk,),
        in_specs=[
            pl.BlockSpec((gblk, N_NODE * 16), lambda i: (i, 0)),
            pl.BlockSpec((N_NODE * 16, 128), lambda i: (0, 0)),
            pl.BlockSpec((1, 128), lambda i: (0, 0)),
            pl.BlockSpec((128, 1), lambda i: (0, 0)),
            pl.BlockSpec((1, 1), lambda i: (0, 0)),
        ],
        out_specs=pl.BlockSpec((gblk, 1), lambda i: (i, 0)),
        out_shape=jax.ShapeDtypeStruct((TOTAL // N_NODE, 1), jnp.float32),
    )(g2, oW1, ob1.reshape(1, 128), oW2, ob2.reshape(1, 1))




def _sc_gather_a(A, src):
    epw = E // NW
    blk = 128
    nblk = epw // blk

    @functools.partial(
        pl.kernel,
        out_type=jax.ShapeDtypeStruct((E, 128), jnp.float32),
        mesh=plsc.VectorSubcoreMesh(**_MESH),
        scratch_types=[
            pltpu.VMEM((epw,), jnp.int32),
            pltpu.VMEM((blk, 128), jnp.float32),
            pltpu.VMEM((blk, 128), jnp.float32),
            pltpu.SemaphoreType.DMA,
            pltpu.SemaphoreType.DMA,
        ],
    )
    def k(a_hbm, src_hbm, g_hbm, idx_v, row0, row1, sem0, sem1):
        wid = lax.axis_index("s") * NC + lax.axis_index("c")
        base = wid * epw
        pltpu.sync_copy(src_hbm.at[pl.ds(base, epw)], idx_v)

        def body(j, carry):
            b0 = j * 2
            b1 = j * 2 + 1
            cp0 = pltpu.async_copy(
                a_hbm.at[idx_v.at[pl.ds(b0 * blk, blk)]], row0, sem0)
            cp1 = pltpu.async_copy(
                a_hbm.at[idx_v.at[pl.ds(b1 * blk, blk)]], row1, sem1)
            cp0.wait()
            pltpu.sync_copy(row0, g_hbm.at[pl.ds(base + b0 * blk, blk)])
            cp1.wait()
            pltpu.sync_copy(row1, g_hbm.at[pl.ds(base + b1 * blk, blk)])
            return carry

        lax.fori_loop(0, nblk // 2, body, 0)

    return k(A, src)




def _sc_agg(W, msgp):
    spw = SLOTS // NW
    ob = 512
    nob = spw // ob

    @functools.partial(
        pl.kernel,
        out_type=jax.ShapeDtypeStruct((SLOTS, 128), jnp.float32),
        mesh=plsc.VectorSubcoreMesh(**_MESH),
        scratch_types=[
            pltpu.VMEM((ob,), jnp.int32),
            pltpu.VMEM((ob,), jnp.int32),
            pltpu.VMEM((ob, 128), jnp.float32),
            pltpu.SemaphoreType.DMA,
        ],
    )
    def k(w_hbm, msg_hbm, agg_hbm, wv, idxb, rows, sem):
        c = lax.axis_index("c")
        s = lax.axis_index("s")
        wid = s * NC + c
        sbase = wid * spw
        iota = _iota16()

        def ob_body(t, carry):
            s0 = sbase + t * ob
            pltpu.sync_copy(w_hbm.at[pl.ds(s0, ob)], wv)

            def vb(i, carry2):
                w16 = wv[pl.ds(i * 16, 16)]
                zrow = E + (((i + wid * 16 + t * 7) & 511) * 16) + iota
                idxb[pl.ds(i * 16, 16)] = jnp.where(w16 >= 0, w16, zrow)
                return carry2

            lax.fori_loop(0, ob // 16, vb, 0)

            cps = []
            for j in range(ob // 128):
                cps.append(pltpu.async_copy(
                    msg_hbm.at[idxb.at[pl.ds(j * 128, 128)]],
                    rows.at[pl.ds(j * 128, 128)], sem))
            for cp in cps:
                cp.wait()
            pltpu.sync_copy(rows, agg_hbm.at[pl.ds(s0, ob)])
            return carry

        lax.fori_loop(0, nob, ob_body, 0)

    return k(W, msgp)




def kernel(node_features, edge_features, edge_index, mW1, mb1, mW2, mb2,
           uW1, ub1, uW2, ub2, oW1, ob1, oW2, ob2):
    src = edge_index[0]
    dst = edge_index[1]

    mW1a_pad = jnp.pad(mW1[:D_NODE], ((0, 0), (0, 64)))
    mb1_pad = jnp.pad(mb1, (0, 64))
    mW1b_pad = jnp.pad(mW1[D_NODE:], ((0, 0), (0, 64)))
    mW2_pad = jnp.pad(mW2, ((0, 64), (0, 0)))

    A = _precompute_a(node_features, mW1a_pad, mb1_pad)
    G = _sc_gather_a(A, src)
    msgp = _messages(G, edge_features, mW1b_pad, mW2_pad, mb2)
    key = (src % N_NODE) * TOTAL + dst
    ids = jnp.arange(E, dtype=jnp.int32)
    W = jnp.full((SLOTS,), -1, jnp.int32).at[key].max(ids)
    agg = _sc_agg(W, msgp)
    return _update_output(agg, uW1, ub1, uW2, ub2, oW1, ob1, oW2, ob2)

# --- scband reference (transcript-rebuilt; emitter-appended) ---
"""Pipeline reference for scband-value-net-55877524521572 (READ-ONLY COPY).

The authoritative reference and input builder live on the scoring server;
editing this copy changes nothing except your own understanding.
"""

import jax, jax.numpy as jnp
import numpy as np

N_NODE = 64
TOTAL = 65536
E = 524288
D_NODE = 128
D_EDGE = 16
D_MSG = 16
D_UPD = 16


def _glorot(key, shape):
    fan_in = shape[0]
    return jax.random.normal(key, shape, dtype=jnp.float32) / jnp.sqrt(float(fan_in))


def setup_inputs(seed: int = 0):
    key = jax.random.key(seed)
    ks = jax.random.split(key, 16)
    node_features = jax.random.normal(ks[0], (TOTAL, D_NODE), dtype=jnp.float32)
    edge_features = jax.random.normal(ks[1], (E, D_EDGE), dtype=jnp.float32)
    edge_index = jax.random.randint(ks[2], (2, E), 0, TOTAL)
    # guarantee max(edge_index)+1 == TOTAL so the reshape to per-graph rows is exact
    edge_index = edge_index.at[1, 0].set(TOTAL - 1)
    params = dict(
        mW1=_glorot(ks[3], (D_NODE + D_EDGE, 64)), mb1=jnp.zeros((64,), jnp.float32),
        mW2=_glorot(ks[4], (64, D_MSG)), mb2=jnp.zeros((D_MSG,), jnp.float32),
        uW1=_glorot(ks[5], (D_MSG * N_NODE, 128)), ub1=jnp.zeros((128,), jnp.float32),
        uW2=_glorot(ks[6], (128, D_UPD)), ub2=jnp.zeros((D_UPD,), jnp.float32),
        oW1=_glorot(ks[7], (D_UPD * N_NODE, 128)), ob1=jnp.zeros((128,), jnp.float32),
        oW2=_glorot(ks[8], (128, 1)), ob2=jnp.zeros((1,), jnp.float32),
    )
    out = {"node_features": node_features, "edge_features": edge_features, "edge_index": edge_index}
    out.update(params)
    return out


def reference(node_features, edge_features, edge_index, mW1, mb1, mW2, mb2, uW1, ub1, uW2, ub2, oW1, ob1, oW2, ob2):
    src = edge_index[0]
    dst = edge_index[1]
    # message MLP over gathered source node features concat edge features
    h = jnp.concatenate([node_features[src], edge_features], axis=1)
    h = jax.nn.relu(h @ mW1 + mb1)
    message = h @ mW2 + mb2
    batch_mul_nodes = node_features.shape[0]
    # scatter-overwrite: aggregated_message[dst, src % n_node] = message
    agg = jnp.zeros((batch_mul_nodes, N_NODE, D_MSG), dtype=message.dtype)
    agg = agg.at[dst, src % N_NODE].set(message)
    agg = agg.reshape(-1, D_MSG * N_NODE)
    g = jax.nn.relu(agg @ uW1 + ub1)
    g = g @ uW2 + ub2
    g = g.reshape(-1, N_NODE * D_UPD)
    o = jax.nn.relu(g @ oW1 + ob1)
    return o @ oW2 + ob2

if __name__ == "__main__":
    import jax
    _d = setup_inputs()
    print(jax.jit(kernel)(*tuple(_d.values())))

</pallas_src>

<mosaic_0001>
#map = affine_map<(d0, d1) -> (0, 0)>
#map1 = affine_map<(d0, d1) -> (0)>
module attributes {stable_mosaic.version = 14 : i64} {
  func.func @k(%arg0: i32, %arg1: i32, %arg2: memref<65536x128xf32, #tpu.memory_space<hbm>>, %arg3: memref<524288xi32, #tpu.memory_space<hbm>>, %arg4: memref<524288x128xf32, #tpu.memory_space<hbm>>, %arg5: memref<16384xi32, #tpu.memory_space<vmem>>, %arg6: memref<128x128xf32, #tpu.memory_space<vmem>>, %arg7: memref<128x128xf32, #tpu.memory_space<vmem>>, %arg8: memref<!tpu.dma_semaphore, #tpu.memory_space<semaphore_mem>>, %arg9: memref<!tpu.dma_semaphore, #tpu.memory_space<semaphore_mem>>) attributes {dimension_semantics = [#tpu.dimension_semantics<core_parallel>, #tpu.dimension_semantics<subcore_parallel>], iteration_bounds = array<i64: 2, 16>, scalar_prefetch = 0 : i64, scratch_operands = 5 : i64, tpu.core_type = #tpu.core_type<sc_vector_subcore>, window_params = [{transform_indices = #map}, {transform_indices = #map1}, {transform_indices = #map}]} {
    %mul3A = arith.constant 2 : i32
    %mul3A_0 = arith.muli %arg1, %mul3A : i32
    %add3A = arith.addi %mul3A_0, %arg0 : i32
    %mul3A_1 = arith.constant 16384 : i32
    %mul3A_2 = arith.muli %add3A, %mul3A_1 : i32
    "tpu.region"() ({
      %run_scoped3A = tpu.sem_alloc : memref<!tpu.dma_semaphore, #tpu.memory_space<semaphore_mem>>
      %dma_start3A = tpu.memref_slice %arg3[%mul3A_2] : memref<524288xi32, #tpu.memory_space<hbm>> -> memref<16384xi32, #tpu.memory_space<hbm>>
      %dma_start3A_8 = tpu.memref_slice %arg3[%mul3A_2] : memref<524288xi32, #tpu.memory_space<hbm>> -> memref<16384xi32, #tpu.memory_space<hbm>>
      tpu.enqueue_dma source(%dma_start3A_8 : memref<16384xi32, #tpu.memory_space<hbm>>) target(%arg5 : memref<16384xi32, #tpu.memory_space<vmem>>) target_semaphore(%run_scoped3A : memref<!tpu.dma_semaphore, #tpu.memory_space<semaphore_mem>>)
      %dma_wait3A = tpu.memref_slice %arg3[%mul3A_2] : memref<524288xi32, #tpu.memory_space<hbm>> -> memref<16384xi32, #tpu.memory_space<hbm>>
      %dma_wait3A_9 = tpu.memref_slice %arg3[%mul3A_2] : memref<524288xi32, #tpu.memory_space<hbm>> -> memref<16384xi32, #tpu.memory_space<hbm>>
      tpu.wait_dma2 semaphore(%run_scoped3A : memref<!tpu.dma_semaphore, #tpu.memory_space<semaphore_mem>>) src(%dma_wait3A_9 : memref<16384xi32, #tpu.memory_space<hbm>>) dst(%arg5 : memref<16384xi32, #tpu.memory_space<vmem>>)
      tpu.yield
    }) : () -> ()
    %scan3A = arith.constant 0 : i32
    %scan3A_3 = arith.constant 0 : i32
    %scan3A_4 = arith.constant 64 : i32
    %scan3A_5 = arith.addi %scan3A_3, %scan3A_4 : i32
    %scan3A_6 = arith.constant 1 : i32
    scf.for %scan3A_8 = %scan3A_3 to %scan3A_5 step %scan3A_6  : i32 {
      %mul3A_9 = arith.constant 2 : i32
      %mul3A_10 = arith.muli %scan3A_8, %mul3A_9 : i32
      %mul3A_11 = arith.constant 2 : i32
      %mul3A_12 = arith.muli %scan3A_8, %mul3A_11 : i32
      %add3A_13 = arith.constant 1 : i32
      %add3A_14 = arith.addi %mul3A_12, %add3A_13 : i32
      %mul3A_15 = arith.constant 128 : i32
      %mul3A_16 = arith.muli %mul3A_10, %mul3A_15 : i32
      %dma_start3A = tpu.memref_slice %arg5[%mul3A_16] : memref<16384xi32, #tpu.memory_space<vmem>> -> memref<128xi32, #tpu.memory_space<vmem>>
      %dma_start3A_17 = arith.constant 0 : i32
      %dma_start3A_18 = arith.constant 0 : i32
      %dma_start3A_19 = tpu.memref_slice %arg2[%dma_start3A_17, %dma_start3A_18] : memref<65536x128xf32, #tpu.memory_space<hbm>> -> memref<65536x128xf32, #tpu.memory_space<hbm>>
      tpu.enqueue_indirect_dma source(%dma_start3A_19 : memref<65536x128xf32, #tpu.memory_space<hbm>>) target(%arg6 : memref<128x128xf32, #tpu.memory_space<vmem>>) offsets(%dma_start3A : memref<128xi32, #tpu.memory_space<vmem>>) semaphore(%arg8 : memref<!tpu.dma_semaphore, #tpu.memory_space<semaphore_mem>>)
      %mul3A_20 = arith.constant 128 : i32
      %mul3A_21 = arith.muli %add3A_14, %mul3A_20 : i32
      %dma_start3A_22 = tpu.memref_slice %arg5[%mul3A_21] : memref<16384xi32, #tpu.memory_space<vmem>> -> memref<128xi32, #tpu.memory_space<vmem>>
      %dma_start3A_23 = arith.constant 0 : i32
      %dma_start3A_24 = arith.constant 0 : i32
      %dma_start3A_25 = tpu.memref_slice %arg2[%dma_start3A_23, %dma_start3A_24] : memref<65536x128xf32, #tpu.memory_space<hbm>> -> memref<65536x128xf32, #tpu.memory_space<hbm>>
      tpu.enqueue_indirect_dma source(%dma_start3A_25 : memref<65536x128xf32, #tpu.memory_space<hbm>>) target(%arg7 : memref<128x128xf32, #tpu.memory_space<vmem>>) offsets(%dma_start3A_22 : memref<128xi32, #tpu.memory_space<vmem>>) semaphore(%arg9 : memref<!tpu.dma_semaphore, #tpu.memory_space<semaphore_mem>>)
      %dma_wait3A = tpu.memref_slice %arg5[%mul3A_16] : memref<16384xi32, #tpu.memory_space<vmem>> -> memref<128xi32, #tpu.memory_space<vmem>>
      %dma_wait3A_26 = arith.constant 0 : i32
      %dma_wait3A_27 = arith.constant 0 : i32
      %dma_wait3A_28 = tpu.memref_slice %arg2[%dma_wait3A_26, %dma_wait3A_27] : memref<65536x128xf32, #tpu.memory_space<hbm>> -> memref<65536x128xf32, #tpu.memory_space<hbm>>
      tpu.wait_indirect_dma semaphore(%arg8 : memref<!tpu.dma_semaphore, #tpu.memory_space<semaphore_mem>>) src(%dma_wait3A_28 : memref<65536x128xf32, #tpu.memory_space<hbm>>) dst(%arg6 : memref<128x128xf32, #tpu.memory_space<vmem>>)
      %mul3A_29 = arith.constant 128 : i32
      %mul3A_30 = arith.muli %mul3A_10, %mul3A_29 : i32
      %add3A_31 = arith.addi %mul3A_2, %mul3A_30 : i32
      "tpu.region"() ({
        %run_scoped3A = tpu.sem_alloc : memref<!tpu.dma_semaphore, #tpu.memory_space<semaphore_mem>>
        %dma_start3A_39 = arith.constant 0 : i32
        %dma_start3A_40 = tpu.memref_slice %arg4[%add3A_31, %dma_start3A_39] : memref<524288x128xf32, #tpu.memory_space<hbm>> -> memref<128x128xf32, #tpu.memory_space<hbm>>
        %dma_start3A_41 = arith.constant 0 : i32
        %dma_start3A_42 = tpu.memref_slice %arg4[%add3A_31, %dma_start3A_41] : memref<524288x128xf32, #tpu.memory_space<hbm>> -> memref<128x128xf32, #tpu.memory_space<hbm>>
        tpu.enqueue_dma source(%arg6 : memref<128x128xf32, #tpu.memory_space<vmem>>) target(%dma_start3A_42 : memref<128x128xf32, #tpu.memory_space<hbm>>) target_semaphore(%run_scoped3A : memref<!tpu.dma_semaphore, #tpu.memory_space<semaphore_mem>>)
        %dma_wait3A_43 = arith.constant 0 : i32
        %dma_wait3A_44 = tpu.memref_slice %arg4[%add3A_31, %dma_wait3A_43] : memref<524288x128xf32, #tpu.memory_space<hbm>> -> memref<128x128xf32, #tpu.memory_space<hbm>>
        %dma_wait3A_45 = arith.constant 0 : i32
        %dma_wait3A_46 = tpu.memref_slice %arg4[%add3A_31, %dma_wait3A_45] : memref<524288x128xf32, #tpu.memory_space<hbm>> -> memref<128x128xf32, #tpu.memory_space<hbm>>
        tpu.wait_dma2 semaphore(%run_scoped3A : memref<!tpu.dma_semaphore, #tpu.memory_space<semaphore_mem>>) src(%arg6 : memref<128x128xf32, #tpu.memory_space<vmem>>) dst(%dma_wait3A_46 : memref<128x128xf32, #tpu.memory_space<hbm>>)
        tpu.yield
      }) : () -> ()
      %dma_wait3A_32 = tpu.memref_slice %arg5[%mul3A_21] : memref<16384xi32, #tpu.memory_space<vmem>> -> memref<128xi32, #tpu.memory_space<vmem>>
      %dma_wait3A_33 = arith.constant 0 : i32
      %dma_wait3A_34 = arith.constant 0 : i32
      %dma_wait3A_35 = tpu.memref_slice %arg2[%dma_wait3A_33, %dma_wait3A_34] : memref<65536x128xf32, #tpu.memory_space<hbm>> -> memref<65536x128xf32, #tpu.memory_space<hbm>>
      tpu.wait_indirect_dma semaphore(%arg9 : memref<!tpu.dma_semaphore, #tpu.memory_space<semaphore_mem>>) src(%dma_wait3A_35 : memref<65536x128xf32, #tpu.memory_space<hbm>>) dst(%arg7 : memref<128x128xf32, #tpu.memory_space<vmem>>)
      %mul3A_36 = arith.constant 128 : i32
      %mul3A_37 = arith.muli %add3A_14, %mul3A_36 : i32
      %add3A_38 = arith.addi %mul3A_2, %mul3A_37 : i32
      "tpu.region"() ({
        %run_scoped3A = tpu.sem_alloc : memref<!tpu.dma_semaphore, #tpu.memory_space<semaphore_mem>>
        %dma_start3A_39 = arith.constant 0 : i32
        %dma_start3A_40 = tpu.memref_slice %arg4[%add3A_38, %dma_start3A_39] : memref<524288x128xf32, #tpu.memory_space<hbm>> -> memref<128x128xf32, #tpu.memory_space<hbm>>
        %dma_start3A_41 = arith.constant 0 : i32
        %dma_start3A_42 = tpu.memref_slice %arg4[%add3A_38, %dma_start3A_41] : memref<524288x128xf32, #tpu.memory_space<hbm>> -> memref<128x128xf32, #tpu.memory_space<hbm>>
        tpu.enqueue_dma source(%arg7 : memref<128x128xf32, #tpu.memory_space<vmem>>) target(%dma_start3A_42 : memref<128x128xf32, #tpu.memory_space<hbm>>) target_semaphore(%run_scoped3A : memref<!tpu.dma_semaphore, #tpu.memory_space<semaphore_mem>>)
        %dma_wait3A_43 = arith.constant 0 : i32
        %dma_wait3A_44 = tpu.memref_slice %arg4[%add3A_38, %dma_wait3A_43] : memref<524288x128xf32, #tpu.memory_space<hbm>> -> memref<128x128xf32, #tpu.memory_space<hbm>>
        %dma_wait3A_45 = arith.constant 0 : i32
        %dma_wait3A_46 = tpu.memref_slice %arg4[%add3A_38, %dma_wait3A_45] : memref<524288x128xf32, #tpu.memory_space<hbm>> -> memref<128x128xf32, #tpu.memory_space<hbm>>
        tpu.wait_dma2 semaphore(%run_scoped3A : memref<!tpu.dma_semaphore, #tpu.memory_space<semaphore_mem>>) src(%arg7 : memref<128x128xf32, #tpu.memory_space<vmem>>) dst(%dma_wait3A_46 : memref<128x128xf32, #tpu.memory_space<hbm>>)
        tpu.yield
      }) : () -> ()
    }
    %scan3A_7 = arith.constant 64 : i32
    return
  }
}

#map = affine_map<(d0, d1) -> (0)>
#map1 = affine_map<(d0, d1) -> (0, 0)>
module attributes {stable_mosaic.version = 14 : i64} {
  func.func @k(%arg0: i32, %arg1: i32, %arg2: memref<4194304xi32, #tpu.memory_space<hbm>>, %arg3: memref<532480x128xf32, #tpu.memory_space<hbm>>, %arg4: memref<4194304x128xf32, #tpu.memory_space<hbm>>, %arg5: memref<512xi32, #tpu.memory_space<vmem>>, %arg6: memref<512xi32, #tpu.memory_space<vmem>>, %arg7: memref<512x128xf32, #tpu.memory_space<vmem>>, %arg8: memref<!tpu.dma_semaphore, #tpu.memory_space<semaphore_mem>>) attributes {dimension_semantics = [#tpu.dimension_semantics<core_parallel>, #tpu.dimension_semantics<subcore_parallel>], iteration_bounds = array<i64: 2, 16>, scalar_prefetch = 0 : i64, scratch_operands = 4 : i64, tpu.core_type = #tpu.core_type<sc_vector_subcore>, window_params = [{transform_indices = #map}, {transform_indices = #map1}, {transform_indices = #map1}]} {
    %mul3A = arith.constant 2 : i32
    %mul3A_0 = arith.muli %arg1, %mul3A : i32
    %add3A = arith.addi %mul3A_0, %arg0 : i32
    %mul3A_1 = arith.constant 131072 : i32
    %mul3A_2 = arith.muli %add3A, %mul3A_1 : i32
    %iota3A = tpu.iota {dimensions = array<i32: 0>} : vector<16xi32>
    %scan3A = arith.constant 0 : i32
    %scan3A_3 = arith.constant 0 : i32
    %scan3A_4 = arith.constant 256 : i32
    %scan3A_5 = arith.addi %scan3A_3, %scan3A_4 : i32
    %scan3A_6 = arith.constant 1 : i32
    scf.for %scan3A_8 = %scan3A_3 to %scan3A_5 step %scan3A_6  : i32 {
      %mul3A_9 = arith.constant 512 : i32
      %mul3A_10 = arith.muli %scan3A_8, %mul3A_9 : i32
      %add3A_11 = arith.addi %mul3A_2, %mul3A_10 : i32
      "tpu.region"() ({
        %run_scoped3A = tpu.sem_alloc : memref<!tpu.dma_semaphore, #tpu.memory_space<semaphore_mem>>
        %dma_start3A_80 = tpu.memref_slice %arg2[%add3A_11] : memref<4194304xi32, #tpu.memory_space<hbm>> -> memref<512xi32, #tpu.memory_space<hbm>>
        %dma_start3A_81 = tpu.memref_slice %arg2[%add3A_11] : memref<4194304xi32, #tpu.memory_space<hbm>> -> memref<512xi32, #tpu.memory_space<hbm>>
        tpu.enqueue_dma source(%dma_start3A_81 : memref<512xi32, #tpu.memory_space<hbm>>) target(%arg5 : memref<512xi32, #tpu.memory_space<vmem>>) target_semaphore(%run_scoped3A : memref<!tpu.dma_semaphore, #tpu.memory_space<semaphore_mem>>)
        %dma_wait3A_82 = tpu.memref_slice %arg2[%add3A_11] : memref<4194304xi32, #tpu.memory_space<hbm>> -> memref<512xi32, #tpu.memory_space<hbm>>
        %dma_wait3A_83 = tpu.memref_slice %arg2[%add3A_11] : memref<4194304xi32, #tpu.memory_space<hbm>> -> memref<512xi32, #tpu.memory_space<hbm>>
        tpu.wait_dma2 semaphore(%run_scoped3A : memref<!tpu.dma_semaphore, #tpu.memory_space<semaphore_mem>>) src(%dma_wait3A_83 : memref<512xi32, #tpu.memory_space<hbm>>) dst(%arg5 : memref<512xi32, #tpu.memory_space<vmem>>)
        tpu.yield
      }) : () -> ()
      %scan3A_12 = arith.constant 0 : i32
      %scan3A_13 = arith.constant 0 : i32
      %scan3A_14 = arith.constant 32 : i32
      %scan3A_15 = arith.addi %scan3A_13, %scan3A_14 : i32
      %scan3A_16 = arith.constant 1 : i32
      scf.for %scan3A_80 = %scan3A_13 to %scan3A_15 step %scan3A_16  : i32 {
        %mul3A_81 = arith.constant 16 : i32
        %mul3A_82 = arith.muli %scan3A_80, %mul3A_81 : i32
        %get3A = arith.index_cast %mul3A_82 : i32 to index
        %get3A_83 = tpu.vector_load %arg5[%get3A] {strides = array<i32>} : memref<512xi32, #tpu.memory_space<vmem>>, vector<16xi32>,
        %get3A_84 = vector.shape_cast %get3A_83 : vector<16xi32> to vector<16xi32>
        %mul3A_85 = arith.constant 16 : i32
        %mul3A_86 = arith.muli %add3A, %mul3A_85 : i32
        %add3A_87 = arith.addi %scan3A_80, %mul3A_86 : i32
        %mul3A_88 = arith.constant 7 : i32
        %mul3A_89 = arith.muli %scan3A_8, %mul3A_88 : i32
        %add3A_90 = arith.addi %add3A_87, %mul3A_89 : i32
        %and3A = arith.constant 511 : i32
        %and3A_91 = arith.andi %add3A_90, %and3A : i32
        %mul3A_92 = arith.constant 16 : i32
        %mul3A_93 = arith.muli %and3A_91, %mul3A_92 : i32
        %add3A_94 = arith.constant 524288 : i32
        %add3A_95 = arith.addi %add3A_94, %mul3A_93 : i32
        %add3A_96 = vector.broadcast %add3A_95 : i32 to vector<16xi32>
        %add3A_97 = arith.addi %add3A_96, %iota3A : vector<16xi32>
        %ge3A = arith.constant 0 : i32
        %ge3A_98 = vector.broadcast %ge3A : i32 to vector<16xi32>
        %ge3A_99 = arith.cmpi sge, %get3A_84, %ge3A_98 : vector<16xi32>
        %select_n3A = arith.select %ge3A_99, %get3A_84, %add3A_97 : vector<16xi1>, vector<16xi32>
        %mul3A_100 = arith.constant 16 : i32
        %mul3A_101 = arith.muli %scan3A_80, %mul3A_100 : i32
        %swap3A = arith.index_cast %mul3A_101 : i32 to index
        %swap3A_102 = tpu.vector_load %arg6[%swap3A] {strides = array<i32>} : memref<512xi32, #tpu.memory_space<vmem>>, vector<16xi32>,
        %swap3A_103 = vector.shape_cast %swap3A_102 : vector<16xi32> to vector<16xi32>
        %swap3A_104 = vector.shape_cast %select_n3A : vector<16xi32> to vector<16xi32>
        tpu.vector_store %arg6[%swap3A], %swap3A_104 {strides = array<i32>} : memref<512xi32, #tpu.memory_space<vmem>>, vector<16xi32>,
      }
      %scan3A_17 = arith.constant 32 : i32
      %dma_start3A = arith.constant 0 : i32
      %dma_start3A_18 = arith.constant 0 : i32
      %dma_start3A_19 = tpu.memref_slice %arg7[%dma_start3A, %dma_start3A_18] : memref<512x128xf32, #tpu.memory_space<vmem>> -> memref<128x128xf32, #tpu.memory_space<vmem>>
      %dma_start3A_20 = arith.constant 0 : i32
      %dma_start3A_21 = tpu.memref_slice %arg6[%dma_start3A_20] : memref<512xi32, #tpu.memory_space<vmem>> -> memref<128xi32, #tpu.memory_space<vmem>>
      %dma_start3A_22 = arith.constant 0 : i32
      %dma_start3A_23 = arith.constant 0 : i32
      %dma_start3A_24 = tpu.memref_slice %arg3[%dma_start3A_22, %dma_start3A_23] : memref<532480x128xf32, #tpu.memory_space<hbm>> -> memref<532480x128xf32, #tpu.memory_space<hbm>>
      tpu.enqueue_indirect_dma source(%dma_start3A_24 : memref<532480x128xf32, #tpu.memory_space<hbm>>) target(%dma_start3A_19 : memref<128x128xf32, #tpu.memory_space<vmem>>) offsets(%dma_start3A_21 : memref<128xi32, #tpu.memory_space<vmem>>) semaphore(%arg8 : memref<!tpu.dma_semaphore, #tpu.memory_space<semaphore_mem>>)
      %dma_start3A_25 = arith.constant 128 : i32
      %dma_start3A_26 = arith.constant 0 : i32
      %dma_start3A_27 = tpu.memref_slice %arg7[%dma_start3A_25, %dma_start3A_26] : memref<512x128xf32, #tpu.memory_space<vmem>> -> memref<128x128xf32, #tpu.memory_space<vmem>>
      %dma_start3A_28 = arith.constant 128 : i32
      %dma_start3A_29 = tpu.memref_slice %arg6[%dma_start3A_28] : memref<512xi32, #tpu.memory_space<vmem>> -> memref<128xi32, #tpu.memory_space<vmem>>
      %dma_start3A_30 = arith.constant 0 : i32
      %dma_start3A_31 = arith.constant 0 : i32
      %dma_start3A_32 = tpu.memref_slice %arg3[%dma_start3A_30, %dma_start3A_31] : memref<532480x128xf32, #tpu.memory_space<hbm>> -> memref<532480x128xf32, #tpu.memory_space<hbm>>
      tpu.enqueue_indirect_dma source(%dma_start3A_32 : memref<532480x128xf32, #tpu.memory_space<hbm>>) target(%dma_start3A_27 : memref<128x128xf32, #tpu.memory_space<vmem>>) offsets(%dma_start3A_29 : memref<128xi32, #tpu.memory_space<vmem>>) semaphore(%arg8 : memref<!tpu.dma_semaphore, #tpu.memory_space<semaphore_mem>>)
      %dma_start3A_33 = arith.constant 256 : i32
      %dma_start3A_34 = arith.constant 0 : i32
      %dma_start3A_35 = tpu.memref_slice %arg7[%dma_start3A_33, %dma_start3A_34] : memref<512x128xf32, #tpu.memory_space<vmem>> -> memref<128x128xf32, #tpu.memory_space<vmem>>
      %dma_start3A_36 = arith.constant 256 : i32
      %dma_start3A_37 = tpu.memref_slice %arg6[%dma_start3A_36] : memref<512xi32, #tpu.memory_space<vmem>> -> memref<128xi32, #tpu.memory_space<vmem>>
      %dma_start3A_38 = arith.constant 0 : i32
      %dma_start3A_39 = arith.constant 0 : i32
      %dma_start3A_40 = tpu.memref_slice %arg3[%dma_start3A_38, %dma_start3A_39] : memref<532480x128xf32, #tpu.memory_space<hbm>> -> memref<532480x128xf32, #tpu.memory_space<hbm>>
      tpu.enqueue_indirect_dma source(%dma_start3A_40 : memref<532480x128xf32, #tpu.memory_space<hbm>>) target(%dma_start3A_35 : memref<128x128xf32, #tpu.memory_space<vmem>>) offsets(%dma_start3A_37 : memref<128xi32, #tpu.memory_space<vmem>>) semaphore(%arg8 : memref<!tpu.dma_semaphore, #tpu.memory_space<semaphore_mem>>)
      %dma_start3A_41 = arith.constant 384 : i32
      %dma_start3A_42 = arith.constant 0 : i32
      %dma_start3A_43 = tpu.memref_slice %arg7[%dma_start3A_41, %dma_start3A_42] : memref<512x128xf32, #tpu.memory_space<vmem>> -> memref<128x128xf32, #tpu.memory_space<vmem>>
      %dma_start3A_44 = arith.constant 384 : i32
      %dma_start3A_45 = tpu.memref_slice %arg6[%dma_start3A_44] : memref<512xi32, #tpu.memory_space<vmem>> -> memref<128xi32, #tpu.memory_space<vmem>>
      %dma_start3A_46 = arith.constant 0 : i32
      %dma_start3A_47 = arith.constant 0 : i32
      %dma_start3A_48 = tpu.memref_slice %arg3[%dma_start3A_46, %dma_start3A_47] : memref<532480x128xf32, #tpu.memory_space<hbm>> -> memref<532480x128xf32, #tpu.memory_space<hbm>>
      tpu.enqueue_indirect_dma source(%dma_start3A_48 : memref<532480x128xf32, #tpu.memory_space<hbm>>) target(%dma_start3A_43 : memref<128x128xf32, #tpu.memory_space<vmem>>) offsets(%dma_start3A_45 : memref<128xi32, #tpu.memory_space<vmem>>) semaphore(%arg8 : memref<!tpu.dma_semaphore, #tpu.memory_space<semaphore_mem>>)
      %dma_wait3A = arith.constant 0 : i32
      %dma_wait3A_49 = arith.constant 0 : i32
      %dma_wait3A_50 = tpu.memref_slice %arg7[%dma_wait3A, %dma_wait3A_49] : memref<512x128xf32, #tpu.memory_space<vmem>> -> memref<128x128xf32, #tpu.memory_space<vmem>>
      %dma_wait3A_51 = arith.constant 0 : i32
      %dma_wait3A_52 = tpu.memref_slice %arg6[%dma_wait3A_51] : memref<512xi32, #tpu.memory_space<vmem>> -> memref<128xi32, #tpu.memory_space<vmem>>
      %dma_wait3A_53 = arith.constant 0 : i32
      %dma_wait3A_54 = arith.constant 0 : i32
      %dma_wait3A_55 = tpu.memref_slice %arg3[%dma_wait3A_53, %dma_wait3A_54] : memref<532480x128xf32, #tpu.memory_space<hbm>> -> memref<532480x128xf32, #tpu.memory_space<hbm>>
      tpu.wait_indirect_dma semaphore(%arg8 : memref<!tpu.dma_semaphore, #tpu.memory_space<semaphore_mem>>) src(%dma_wait3A_55 : memref<532480x128xf32, #tpu.memory_space<hbm>>) dst(%dma_wait3A_50 : memref<128x128xf32, #tpu.memory_space<vmem>>)
      %dma_wait3A_56 = arith.constant 128 : i32
      %dma_wait3A_57 = arith.constant 0 : i32
      %dma_wait3A_58 = tpu.memref_slice %arg7[%dma_wait3A_56, %dma_wait3A_57] : memref<512x128xf32, #tpu.memory_space<vmem>> -> memref<128x128xf32, #tpu.memory_space<vmem>>
      %dma_wait3A_59 = arith.constant 128 : i32
      %dma_wait3A_60 = tpu.memref_slice %arg6[%dma_wait3A_59] : memref<512xi32, #tpu.memory_space<vmem>> -> memref<128xi32, #tpu.memory_space<vmem>>
      %dma_wait3A_61 = arith.constant 0 : i32
      %dma_wait3A_62 = arith.constant 0 : i32
      %dma_wait3A_63 = tpu.memref_slice %arg3[%dma_wait3A_61, %dma_wait3A_62] : memref<532480x128xf32, #tpu.memory_space<hbm>> -> memref<532480x128xf32, #tpu.memory_space<hbm>>
      tpu.wait_indirect_dma semaphore(%arg8 : memref<!tpu.dma_semaphore, #tpu.memory_space<semaphore_mem>>) src(%dma_wait3A_63 : memref<532480x128xf32, #tpu.memory_space<hbm>>) dst(%dma_wait3A_58 : memref<128x128xf32, #tpu.memory_space<vmem>>)
      %dma_wait3A_64 = arith.constant 256 : i32
      %dma_wait3A_65 = arith.constant 0 : i32
      %dma_wait3A_66 = tpu.memref_slice %arg7[%dma_wait3A_64, %dma_wait3A_65] : memref<512x128xf32, #tpu.memory_space<vmem>> -> memref<128x128xf32, #tpu.memory_space<vmem>>
      %dma_wait3A_67 = arith.constant 256 : i32
      %dma_wait3A_68 = tpu.memref_slice %arg6[%dma_wait3A_67] : memref<512xi32, #tpu.memory_space<vmem>> -> memref<128xi32, #tpu.memory_space<vmem>>
      %dma_wait3A_69 = arith.constant 0 : i32
      %dma_wait3A_70 = arith.constant 0 : i32
      %dma_wait3A_71 = tpu.memref_slice %arg3[%dma_wait3A_69, %dma_wait3A_70] : memref<532480x128xf32, #tpu.memory_space<hbm>> -> memref<532480x128xf32, #tpu.memory_space<hbm>>
      tpu.wait_indirect_dma semaphore(%arg8 : memref<!tpu.dma_semaphore, #tpu.memory_space<semaphore_mem>>) src(%dma_wait3A_71 : memref<532480x128xf32, #tpu.memory_space<hbm>>) dst(%dma_wait3A_66 : memref<128x128xf32, #tpu.memory_space<vmem>>)
      %dma_wait3A_72 = arith.constant 384 : i32
      %dma_wait3A_73 = arith.constant 0 : i32
      %dma_wait3A_74 = tpu.memref_slice %arg7[%dma_wait3A_72, %dma_wait3A_73] : memref<512x128xf32, #tpu.memory_space<vmem>> -> memref<128x128xf32, #tpu.memory_space<vmem>>
      %dma_wait3A_75 = arith.constant 384 : i32
      %dma_wait3A_76 = tpu.memref_slice %arg6[%dma_wait3A_75] : memref<512xi32, #tpu.memory_space<vmem>> -> memref<128xi32, #tpu.memory_space<vmem>>
      %dma_wait3A_77 = arith.constant 0 : i32
      %dma_wait3A_78 = arith.constant 0 : i32
      %dma_wait3A_79 = tpu.memref_slice %arg3[%dma_wait3A_77, %dma_wait3A_78] : memref<532480x128xf32, #tpu.memory_space<hbm>> -> memref<532480x128xf32, #tpu.memory_space<hbm>>
      tpu.wait_indirect_dma semaphore(%arg8 : memref<!tpu.dma_semaphore, #tpu.memory_space<semaphore_mem>>) src(%dma_wait3A_79 : memref<532480x128xf32, #tpu.memory_space<hbm>>) dst(%dma_wait3A_74 : memref<128x128xf32, #tpu.memory_space<vmem>>)
      "tpu.region"() ({
        %run_scoped3A = tpu.sem_alloc : memref<!tpu.dma_semaphore, #tpu.memory_space<semaphore_mem>>
        %dma_start3A_80 = arith.constant 0 : i32
        %dma_start3A_81 = tpu.memref_slice %arg4[%add3A_11, %dma_start3A_80] : memref<4194304x128xf32, #tpu.memory_space<hbm>> -> memref<512x128xf32, #tpu.memory_space<hbm>>
        %dma_start3A_82 = arith.constant 0 : i32
        %dma_start3A_83 = tpu.memref_slice %arg4[%add3A_11, %dma_start3A_82] : memref<4194304x128xf32, #tpu.memory_space<hbm>> -> memref<512x128xf32, #tpu.memory_space<hbm>>
        tpu.enqueue_dma source(%arg7 : memref<512x128xf32, #tpu.memory_space<vmem>>) target(%dma_start3A_83 : memref<512x128xf32, #tpu.memory_space<hbm>>) target_semaphore(%run_scoped3A : memref<!tpu.dma_semaphore, #tpu.memory_space<semaphore_mem>>)
        %dma_wait3A_84 = arith.constant 0 : i32
        %dma_wait3A_85 = tpu.memref_slice %arg4[%add3A_11, %dma_wait3A_84] : memref<4194304x128xf32, #tpu.memory_space<hbm>> -> memref<512x128xf32, #tpu.memory_space<hbm>>
        %dma_wait3A_86 = arith.constant 0 : i32
        %dma_wait3A_87 = tpu.memref_slice %arg4[%add3A_11, %dma_wait3A_86] : memref<4194304x128xf32, #tpu.memory_space<hbm>> -> memref<512x128xf32, #tpu.memory_space<hbm>>
        tpu.wait_dma2 semaphore(%run_scoped3A : memref<!tpu.dma_semaphore, #tpu.memory_space<semaphore_mem>>) src(%arg7 : memref<512x128xf32, #tpu.memory_space<vmem>>) dst(%dma_wait3A_87 : memref<512x128xf32, #tpu.memory_space<hbm>>)
        tpu.yield
      }) : () -> ()
    }
    %scan3A_7 = arith.constant 256 : i32
    return
  }
}

module attributes {stable_mosaic.version = 14 : i64} {
  func.func @_k1_body(%arg0: i32, %arg1: memref<512x128xf32, #tpu.memory_space<vmem>>, %arg2: memref<128x128xf32, #tpu.memory_space<vmem>>, %arg3: memref<1x128xf32, #tpu.memory_space<vmem>>, %arg4: memref<512x128xf32, #tpu.memory_space<vmem>>) attributes {dimension_semantics = [#tpu.dimension_semantics<arbitrary>], iteration_bounds = array<i64: 128>, scalar_prefetch = 0 : i64, scratch_operands = 0 : i64, tpu.core_type = #tpu.core_type<tc>, window_params = [{transform_indices = @transform_0, window_bounds = array<i64: 512, 128>}, {pipeline_mode = #tpu.pipeline_mode<synchronous>, transform_indices = @transform_1, window_bounds = array<i64: 128, 128>}, {pipeline_mode = #tpu.pipeline_mode<synchronous>, transform_indices = @transform_2, window_bounds = array<i64: 1, 128>}, {transform_indices = @transform_3, window_bounds = array<i64: 512, 128>}]} {
    %get3A = arith.constant 0 : index
    %get3A_0 = arith.constant 0 : index
    %get3A_1 = vector.load %arg1[%get3A, %get3A_0] : memref<512x128xf32, #tpu.memory_space<vmem>>, vector<512x128xf32>
    %get3A_2 = arith.constant 0 : index
    %get3A_3 = arith.constant 0 : index
    %get3A_4 = vector.load %arg2[%get3A_2, %get3A_3] : memref<128x128xf32, #tpu.memory_space<vmem>>, vector<128x128xf32>
    %dot_general3A = arith.constant dense<0.000000e+00> : vector<512x128xf32>
    %dot_general3A_5 = tpu.matmul %get3A_1, %get3A_4, %dot_general3A {dimension_numbers = #tpu.dot_dimension_numbers<[1], [0], [0], [1], [0, 0, 1, 1], [], []>, transpose_lhs_hint = false} : vector<512x128xf32>, vector<128x128xf32>, vector<512x128xf32> -> vector<512x128xf32>
    %get3A_6 = arith.constant 0 : index
    %get3A_7 = arith.constant 0 : index
    %get3A_8 = vector.load %arg3[%get3A_6, %get3A_7] : memref<1x128xf32, #tpu.memory_space<vmem>>, vector<1x128xf32>
    %add3A = vector.broadcast %get3A_8 : vector<1x128xf32> to vector<512x128xf32>
    %add3A_9 = arith.addf %dot_general3A_5, %add3A : vector<512x128xf32>
    %swap3A = arith.constant 0 : index
    %swap3A_10 = arith.constant 0 : index
    %swap3A_11 = vector.load %arg4[%swap3A, %swap3A_10] : memref<512x128xf32, #tpu.memory_space<vmem>>, vector<512x128xf32>
    tpu.vector_store %arg4[%swap3A, %swap3A_10], %add3A_9 {strides = array<i32>} : memref<512x128xf32, #tpu.memory_space<vmem>>, vector<512x128xf32>,
    return
  }
  func.func @transform_0(%arg0: i32) -> (i32, i32) {
    %c0_i32 = arith.constant 0 : i32
    %c0_i32_0 = arith.constant 0 : i32
    return %arg0, %c0_i32 : i32, i32
  }
  func.func @transform_1(%arg0: i32) -> (i32, i32) {
    %c0_i32 = arith.constant 0 : i32
    %c0_i32_0 = arith.constant 0 : i32
    %c0_i32_1 = arith.constant 0 : i32
    return %c0_i32, %c0_i32_0 : i32, i32
  }
  func.func @transform_2(%arg0: i32) -> (i32, i32) {
    %c0_i32 = arith.constant 0 : i32
    %c0_i32_0 = arith.constant 0 : i32
    %c0_i32_1 = arith.constant 0 : i32
    return %c0_i32, %c0_i32_0 : i32, i32
  }
  func.func @transform_3(%arg0: i32) -> (i32, i32) {
    %c0_i32 = arith.constant 0 : i32
    %c0_i32_0 = arith.constant 0 : i32
    return %arg0, %c0_i32 : i32, i32
  }
}

module attributes {stable_mosaic.version = 14 : i64} {
  func.func @_k3_body(%arg0: i32, %arg1: memref<2048x128xf32, #tpu.memory_space<vmem>>, %arg2: memref<2048x16xf32, #tpu.memory_space<vmem>>, %arg3: memref<16x128xf32, #tpu.memory_space<vmem>>, %arg4: memref<128x16xf32, #tpu.memory_space<vmem>>, %arg5: memref<1x16xf32, #tpu.memory_space<vmem>>, %arg6: memref<2048x128xf32, #tpu.memory_space<vmem>>) attributes {dimension_semantics = [#tpu.dimension_semantics<arbitrary>], iteration_bounds = array<i64: 260>, scalar_prefetch = 0 : i64, scratch_operands = 0 : i64, tpu.core_type = #tpu.core_type<tc>, window_params = [{transform_indices = @transform_0, window_bounds = array<i64: 2048, 128>}, {transform_indices = @transform_1, window_bounds = array<i64: 2048, 16>}, {pipeline_mode = #tpu.pipeline_mode<synchronous>, transform_indices = @transform_2, window_bounds = array<i64: 16, 128>}, {pipeline_mode = #tpu.pipeline_mode<synchronous>, transform_indices = @transform_3, window_bounds = array<i64: 128, 16>}, {pipeline_mode = #tpu.pipeline_mode<synchronous>, transform_indices = @transform_4, window_bounds = array<i64: 1, 16>}, {transform_indices = @transform_5, window_bounds = array<i64: 2048, 128>}]} {
    %get3A = arith.constant 0 : index
    %get3A_0 = arith.constant 0 : index
    %get3A_1 = vector.load %arg1[%get3A, %get3A_0] : memref<2048x128xf32, #tpu.memory_space<vmem>>, vector<2048x128xf32>
    %get3A_2 = arith.constant 0 : index
    %get3A_3 = arith.constant 0 : index
    %get3A_4 = vector.load %arg2[%get3A_2, %get3A_3] : memref<2048x16xf32, #tpu.memory_space<vmem>>, vector<2048x16xf32>
    %get3A_5 = arith.constant 0 : index
    %get3A_6 = arith.constant 0 : index
    %get3A_7 = vector.load %arg3[%get3A_5, %get3A_6] : memref<16x128xf32, #tpu.memory_space<vmem>>, vector<16x128xf32>
    %dot_general3A = arith.constant dense<0.000000e+00> : vector<2048x128xf32>
    %dot_general3A_8 = tpu.matmul %get3A_4, %get3A_7, %dot_general3A {dimension_numbers = #tpu.dot_dimension_numbers<[1], [0], [0], [1], [0, 0, 1, 1], [], []>, transpose_lhs_hint = false} : vector<2048x16xf32>, vector<16x128xf32>, vector<2048x128xf32> -> vector<2048x128xf32>
    %add3A = arith.addf %get3A_1, %dot_general3A_8 : vector<2048x128xf32>
    %max3A = arith.constant 0.000000e+00 : f32
    %max3A_9 = vector.broadcast %max3A : f32 to vector<2048x128xf32>
    %max3A_10 = arith.maximumf %add3A, %max3A_9 : vector<2048x128xf32>
    %get3A_11 = arith.constant 0 : index
    %get3A_12 = arith.constant 0 : index
    %get3A_13 = vector.load %arg4[%get3A_11, %get3A_12] : memref<128x16xf32, #tpu.memory_space<vmem>>, vector<128x16xf32>
    %dot_general3A_14 = arith.constant dense<0.000000e+00> : vector<2048x16xf32>
    %dot_general3A_15 = tpu.matmul %max3A_10, %get3A_13, %dot_general3A_14 {dimension_numbers = #tpu.dot_dimension_numbers<[1], [0], [0], [1], [0, 0, 1, 1], [], []>, transpose_lhs_hint = false} : vector<2048x128xf32>, vector<128x16xf32>, vector<2048x16xf32> -> vector<2048x16xf32>
    %get3A_16 = arith.constant 0 : index
    %get3A_17 = arith.constant 0 : index
    %get3A_18 = vector.load %arg5[%get3A_16, %get3A_17] : memref<1x16xf32, #tpu.memory_space<vmem>>, vector<1x16xf32>
    %add3A_19 = vector.broadcast %get3A_18 : vector<1x16xf32> to vector<2048x16xf32>
    %add3A_20 = arith.addf %dot_general3A_15, %add3A_19 : vector<2048x16xf32>
    %lt3A = arith.constant 256 : i32
    %lt3A_21 = arith.cmpi slt, %arg0, %lt3A : i32
    %convert_element_type3A = arith.extui %lt3A_21 : i1 to i32
    %convert_element_type3A_22 = arith.sitofp %convert_element_type3A : i32 to f32
    %mul3A = vector.broadcast %convert_element_type3A_22 : f32 to vector<2048x16xf32>
    %mul3A_23 = arith.mulf %add3A_20, %mul3A : vector<2048x16xf32>
    %broadcast_in_dim3A = arith.constant 0.000000e+00 : f32
    %broadcast_in_dim3A_24 = vector.broadcast %broadcast_in_dim3A : f32 to vector<2048x112xf32>
    %concatenate3A = tpu.concatenate %mul3A_23, %broadcast_in_dim3A_24 in 1 : vector<2048x16xf32>, vector<2048x112xf32> -> vector<2048x128xf32>
    %swap3A = arith.constant 0 : index
    %swap3A_25 = arith.constant 0 : index
    %swap3A_26 = vector.load %arg6[%swap3A, %swap3A_25] : memref<2048x128xf32, #tpu.memory_space<vmem>>, vector<2048x128xf32>
    tpu.vector_store %arg6[%swap3A, %swap3A_25], %concatenate3A {strides = array<i32>} : memref<2048x128xf32, #tpu.memory_space<vmem>>, vector<2048x128xf32>,
    return
  }
  func.func @transform_0(%arg0: i32) -> (i32, i32) {
    %min3A = arith.constant 255 : i32
    %min3A_0 = arith.minsi %arg0, %min3A : i32
    %c0_i32 = arith.constant 0 : i32
    %c0_i32_1 = arith.constant 0 : i32
    return %min3A_0, %c0_i32 : i32, i32
  }
  func.func @transform_1(%arg0: i32) -> (i32, i32) {
    %min3A = arith.constant 255 : i32
    %min3A_0 = arith.minsi %arg0, %min3A : i32
    %c0_i32 = arith.constant 0 : i32
    %c0_i32_1 = arith.constant 0 : i32
    return %min3A_0, %c0_i32 : i32, i32
  }
  func.func @transform_2(%arg0: i32) -> (i32, i32) {
    %c0_i32 = arith.constant 0 : i32
    %c0_i32_0 = arith.constant 0 : i32
    %c0_i32_1 = arith.constant 0 : i32
    return %c0_i32, %c0_i32_0 : i32, i32
  }
  func.func @transform_3(%arg0: i32) -> (i32, i32) {
    %c0_i32 = arith.constant 0 : i32
    %c0_i32_0 = arith.constant 0 : i32
    %c0_i32_1 = arith.constant 0 : i32
    return %c0_i32, %c0_i32_0 : i32, i32
  }
  func.func @transform_4(%arg0: i32) -> (i32, i32) {
    %c0_i32 = arith.constant 0 : i32
    %c0_i32_0 = arith.constant 0 : i32
    %c0_i32_1 = arith.constant 0 : i32
    return %c0_i32, %c0_i32_0 : i32, i32
  }
  func.func @transform_5(%arg0: i32) -> (i32, i32) {
    %c0_i32 = arith.constant 0 : i32
    %c0_i32_0 = arith.constant 0 : i32
    return %arg0, %c0_i32 : i32, i32
  }
}

module attributes {stable_mosaic.version = 14 : i64} {
  func.func @_k6a_jm_body(%arg0: i32, %arg1: i32, %arg2: memref<4096x128xf32, #tpu.memory_space<vmem>>, %arg3: memref<1x16x128xf32, #tpu.memory_space<vmem>>, %arg4: memref<1x128xf32, #tpu.memory_space<vmem>>, %arg5: memref<128x16xf32, #tpu.memory_space<vmem>>, %arg6: memref<1x16xf32, #tpu.memory_space<vmem>>, %arg7: memref<4096x16xf32, #tpu.memory_space<vmem>>, %arg8: memref<4096x128xf32, #tpu.memory_space<vmem>>) attributes {dimension_semantics = [#tpu.dimension_semantics<parallel>, #tpu.dimension_semantics<arbitrary>], iteration_bounds = array<i64: 16, 64>, scalar_prefetch = 0 : i64, scratch_operands = 1 : i64, tpu.core_type = #tpu.core_type<tc>, window_params = [{transform_indices = @transform_0, window_bounds = array<i64: 4096, 128>}, {transform_indices = @transform_1, window_bounds = array<i64: 1, 16, 128>}, {pipeline_mode = #tpu.pipeline_mode<synchronous>, transform_indices = @transform_2, window_bounds = array<i64: 1, 128>}, {pipeline_mode = #tpu.pipeline_mode<synchronous>, transform_indices = @transform_3, window_bounds = array<i64: 128, 16>}, {pipeline_mode = #tpu.pipeline_mode<synchronous>, transform_indices = @transform_4, window_bounds = array<i64: 1, 16>}, {transform_indices = @transform_5, window_bounds = array<i64: 4096, 16>}]} {
    %eq3A = arith.constant 0 : i32
    %eq3A_0 = arith.cmpi eq, %arg1, %eq3A : i32
    %convert_element_type3A = arith.extui %eq3A_0 : i1 to i32
    %cond3A = arith.constant 0 : i32
    %cond3A_1 = arith.cmpi ne, %convert_element_type3A, %cond3A : i32
    scf.if %cond3A_1 {
      %broadcast_in_dim3A = arith.constant 0.000000e+00 : f32
      %broadcast_in_dim3A_20 = vector.broadcast %broadcast_in_dim3A : f32 to vector<4096x128xf32>
      %swap3A_21 = arith.constant 0 : index
      %swap3A_22 = arith.constant 0 : index
      %swap3A_23 = vector.load %arg8[%swap3A_21, %swap3A_22] : memref<4096x128xf32, #tpu.memory_space<vmem>>, vector<4096x128xf32>
      tpu.vector_store %arg8[%swap3A_21, %swap3A_22], %broadcast_in_dim3A_20 {strides = array<i32>} : memref<4096x128xf32, #tpu.memory_space<vmem>>, vector<4096x128xf32>,
    } else {
    }
    %get3A = arith.constant 0 : index
    %get3A_2 = arith.constant 0 : index
    %get3A_3 = vector.load %arg8[%get3A, %get3A_2] : memref<4096x128xf32, #tpu.memory_space<vmem>>, vector<4096x128xf32>
    %get3A_4 = arith.constant 0 : index
    %get3A_5 = arith.constant 0 : index
    %get3A_6 = vector.load %arg2[%get3A_4, %get3A_5] : memref<4096x128xf32, #tpu.memory_space<vmem>>, vector<4096x128xf32>
    %slice3A = vector.extract_strided_slice %get3A_6 {offsets = [0, 0], sizes = [4096, 16], strides = [1, 1]} : vector<4096x128xf32> to vector<4096x16xf32>
    %get3A_7 = arith.constant 0 : index
    %get3A_8 = arith.constant 0 : index
    %get3A_9 = arith.constant 0 : index
    %get3A_10 = vector.load %arg3[%get3A_7, %get3A_8, %get3A_9] : memref<1x16x128xf32, #tpu.memory_space<vmem>>, vector<1x16x128xf32>
    %get3A_11 = vector.shape_cast %get3A_10 : vector<1x16x128xf32> to vector<16x128xf32>
    %dot_general3A = arith.constant dense<0.000000e+00> : vector<4096x128xf32>
    %dot_general3A_12 = tpu.matmul %slice3A, %get3A_11, %dot_general3A {dimension_numbers = #tpu.dot_dimension_numbers<[1], [0], [0], [1], [0, 0, 1, 1], [], []>, transpose_lhs_hint = false} : vector<4096x16xf32>, vector<16x128xf32>, vector<4096x128xf32> -> vector<4096x128xf32>
    %add3A = arith.addf %get3A_3, %dot_general3A_12 : vector<4096x128xf32>
    %swap3A = arith.constant 0 : index
    %swap3A_13 = arith.constant 0 : index
    %swap3A_14 = vector.load %arg8[%swap3A, %swap3A_13] : memref<4096x128xf32, #tpu.memory_space<vmem>>, vector<4096x128xf32>
    tpu.vector_store %arg8[%swap3A, %swap3A_13], %add3A {strides = array<i32>} : memref<4096x128xf32, #tpu.memory_space<vmem>>, vector<4096x128xf32>,
    %eq3A_15 = arith.constant 63 : i32
    %eq3A_16 = arith.cmpi eq, %arg1, %eq3A_15 : i32
    %convert_element_type3A_17 = arith.extui %eq3A_16 : i1 to i32
    %cond3A_18 = arith.constant 0 : i32
    %cond3A_19 = arith.cmpi ne, %convert_element_type3A_17, %cond3A_18 : i32
    scf.if %cond3A_19 {
      %get3A_20 = arith.constant 0 : index
      %get3A_21 = arith.constant 0 : index
      %get3A_22 = vector.load %arg8[%get3A_20, %get3A_21] : memref<4096x128xf32, #tpu.memory_space<vmem>>, vector<4096x128xf32>
      %get3A_23 = arith.constant 0 : index
      %get3A_24 = arith.constant 0 : index
      %get3A_25 = vector.load %arg4[%get3A_23, %get3A_24] : memref<1x128xf32, #tpu.memory_space<vmem>>, vector<1x128xf32>
      %add3A_26 = vector.broadcast %get3A_25 : vector<1x128xf32> to vector<4096x128xf32>
      %add3A_27 = arith.addf %get3A_22, %add3A_26 : vector<4096x128xf32>
      %max3A = arith.constant 0.000000e+00 : f32
      %max3A_28 = vector.broadcast %max3A : f32 to vector<4096x128xf32>
      %max3A_29 = arith.maximumf %add3A_27, %max3A_28 : vector<4096x128xf32>
      %get3A_30 = arith.constant 0 : index
      %get3A_31 = arith.constant 0 : index
      %get3A_32 = vector.load %arg5[%get3A_30, %get3A_31] : memref<128x16xf32, #tpu.memory_space<vmem>>, vector<128x16xf32>
      %dot_general3A_33 = arith.constant dense<0.000000e+00> : vector<4096x16xf32>
      %dot_general3A_34 = tpu.matmul %max3A_29, %get3A_32, %dot_general3A_33 {dimension_numbers = #tpu.dot_dimension_numbers<[1], [0], [0], [1], [0, 0, 1, 1], [], []>, transpose_lhs_hint = false} : vector<4096x128xf32>, vector<128x16xf32>, vector<4096x16xf32> -> vector<4096x16xf32>
      %get3A_35 = arith.constant 0 : index
      %get3A_36 = arith.constant 0 : index
      %get3A_37 = vector.load %arg6[%get3A_35, %get3A_36] : memref<1x16xf32, #tpu.memory_space<vmem>>, vector<1x16xf32>
      %add3A_38 = vector.broadcast %get3A_37 : vector<1x16xf32> to vector<4096x16xf32>
      %add3A_39 = arith.addf %dot_general3A_34, %add3A_38 : vector<4096x16xf32>
      %swap3A_40 = arith.constant 0 : index
      %swap3A_41 = arith.constant 0 : index
      %swap3A_42 = vector.load %arg7[%swap3A_40, %swap3A_41] : memref<4096x16xf32, #tpu.memory_space<vmem>>, vector<4096x16xf32>
      tpu.vector_store %arg7[%swap3A_40, %swap3A_41], %add3A_39 {strides = array<i32>} : memref<4096x16xf32, #tpu.memory_space<vmem>>, vector<4096x16xf32>,
    } else {
    }
    return
  }
  func.func @transform_0(%arg0: i32, %arg1: i32) -> (i32, i32) {
    %mul3A = arith.constant 16 : i32
    %mul3A_0 = arith.muli %arg1, %mul3A : i32
    %add3A = arith.addi %mul3A_0, %arg0 : i32
    %c0_i32 = arith.constant 0 : i32
    %c0_i32_1 = arith.constant 0 : i32
    return %add3A, %c0_i32 : i32, i32
  }
  func.func @transform_1(%arg0: i32, %arg1: i32) -> (i32, i32, i32) {
    %c0_i32 = arith.constant 0 : i32
    %c0_i32_0 = arith.constant 0 : i32
    %c0_i32_1 = arith.constant 0 : i32
    return %arg1, %c0_i32, %c0_i32_0 : i32, i32, i32
  }
  func.func @transform_2(%arg0: i32, %arg1: i32) -> (i32, i32) {
    %c0_i32 = arith.constant 0 : i32
    %c0_i32_0 = arith.constant 0 : i32
    %c0_i32_1 = arith.constant 0 : i32
    return %c0_i32, %c0_i32_0 : i32, i32
  }
  func.func @transform_3(%arg0: i32, %arg1: i32) -> (i32, i32) {
    %c0_i32 = arith.constant 0 : i32
    %c0_i32_0 = arith.constant 0 : i32
    %c0_i32_1 = arith.constant 0 : i32
    return %c0_i32, %c0_i32_0 : i32, i32
  }
  func.func @transform_4(%arg0: i32, %arg1: i32) -> (i32, i32) {
    %c0_i32 = arith.constant 0 : i32
    %c0_i32_0 = arith.constant 0 : i32
    %c0_i32_1 = arith.constant 0 : i32
    return %c0_i32, %c0_i32_0 : i32, i32
  }
  func.func @transform_5(%arg0: i32, %arg1: i32) -> (i32, i32) {
    %c0_i32 = arith.constant 0 : i32
    %c0_i32_0 = arith.constant 0 : i32
    return %arg0, %c0_i32 : i32, i32
  }
}

module attributes {stable_mosaic.version = 14 : i64} {
  func.func @_k6b_body(%arg0: i32, %arg1: memref<256x1024xf32, #tpu.memory_space<vmem>>, %arg2: memref<1024x128xf32, #tpu.memory_space<vmem>>, %arg3: memref<1x128xf32, #tpu.memory_space<vmem>>, %arg4: memref<128x1xf32, #tpu.memory_space<vmem>>, %arg5: memref<1x1xf32, #tpu.memory_space<vmem>>, %arg6: memref<256x1xf32, #tpu.memory_space<vmem>>) attributes {dimension_semantics = [#tpu.dimension_semantics<arbitrary>], iteration_bounds = array<i64: 4>, scalar_prefetch = 0 : i64, scratch_operands = 0 : i64, tpu.core_type = #tpu.core_type<tc>, window_params = [{transform_indices = @transform_0, window_bounds = array<i64: 256, 1024>}, {pipeline_mode = #tpu.pipeline_mode<synchronous>, transform_indices = @transform_1, window_bounds = array<i64: 1024, 128>}, {pipeline_mode = #tpu.pipeline_mode<synchronous>, transform_indices = @transform_2, window_bounds = array<i64: 1, 128>}, {pipeline_mode = #tpu.pipeline_mode<synchronous>, transform_indices = @transform_3, window_bounds = array<i64: 128, 1>}, {pipeline_mode = #tpu.pipeline_mode<synchronous>, transform_indices = @transform_4, window_bounds = array<i64: 1, 1>}, {transform_indices = @transform_5, window_bounds = array<i64: 256, 1>}]} {
    %get3A = arith.constant 0 : index
    %get3A_0 = arith.constant 0 : index
    %get3A_1 = vector.load %arg1[%get3A, %get3A_0] : memref<256x1024xf32, #tpu.memory_space<vmem>>, vector<256x1024xf32>
    %get3A_2 = arith.constant 0 : index
    %get3A_3 = arith.constant 0 : index
    %get3A_4 = vector.load %arg2[%get3A_2, %get3A_3] : memref<1024x128xf32, #tpu.memory_space<vmem>>, vector<1024x128xf32>
    %dot_general3A = arith.constant dense<0.000000e+00> : vector<256x128xf32>
    %dot_general3A_5 = tpu.matmul %get3A_1, %get3A_4, %dot_general3A {dimension_numbers = #tpu.dot_dimension_numbers<[1], [0], [0], [1], [0, 0, 1, 1], [], []>, transpose_lhs_hint = false} : vector<256x1024xf32>, vector<1024x128xf32>, vector<256x128xf32> -> vector<256x128xf32>
    %get3A_6 = arith.constant 0 : index
    %get3A_7 = arith.constant 0 : index
    %get3A_8 = vector.load %arg3[%get3A_6, %get3A_7] : memref<1x128xf32, #tpu.memory_space<vmem>>, vector<1x128xf32>
    %add3A = vector.broadcast %get3A_8 : vector<1x128xf32> to vector<256x128xf32>
    %add3A_9 = arith.addf %dot_general3A_5, %add3A : vector<256x128xf32>
    %max3A = arith.constant 0.000000e+00 : f32
    %max3A_10 = vector.broadcast %max3A : f32 to vector<256x128xf32>
    %max3A_11 = arith.maximumf %add3A_9, %max3A_10 : vector<256x128xf32>
    %get3A_12 = arith.constant 0 : index
    %get3A_13 = arith.constant 0 : index
    %get3A_14 = vector.load %arg4[%get3A_12, %get3A_13] : memref<128x1xf32, #tpu.memory_space<vmem>>, vector<128x1xf32>
    %dot_general3A_15 = arith.constant dense<0.000000e+00> : vector<256x1xf32>
    %dot_general3A_16 = tpu.matmul %max3A_11, %get3A_14, %dot_general3A_15 {dimension_numbers = #tpu.dot_dimension_numbers<[1], [0], [0], [1], [0, 0, 1, 1], [], []>, transpose_lhs_hint = false} : vector<256x128xf32>, vector<128x1xf32>, vector<256x1xf32> -> vector<256x1xf32>
    %get3A_17 = arith.constant 0 : index
    %get3A_18 = arith.constant 0 : index
    %get3A_19 = vector.load %arg5[%get3A_17, %get3A_18] : memref<1x1xf32, #tpu.memory_space<vmem>>, vector<1x1xf32>
    %add3A_20 = vector.broadcast %get3A_19 : vector<1x1xf32> to vector<256x1xf32>
    %add3A_21 = arith.addf %dot_general3A_16, %add3A_20 : vector<256x1xf32>
    %swap3A = arith.constant 0 : index
    %swap3A_22 = arith.constant 0 : index
    %swap3A_23 = vector.load %arg6[%swap3A, %swap3A_22] : memref<256x1xf32, #tpu.memory_space<vmem>>, vector<256x1xf32>
    tpu.vector_store %arg6[%swap3A, %swap3A_22], %add3A_21 {strides = array<i32>} : memref<256x1xf32, #tpu.memory_space<vmem>>, vector<256x1xf32>,
    return
  }
  func.func @transform_0(%arg0: i32) -> (i32, i32) {
    %c0_i32 = arith.constant 0 : i32
    %c0_i32_0 = arith.constant 0 : i32
    return %arg0, %c0_i32 : i32, i32
  }
  func.func @transform_1(%arg0: i32) -> (i32, i32) {
    %c0_i32 = arith.constant 0 : i32
    %c0_i32_0 = arith.constant 0 : i32
    %c0_i32_1 = arith.constant 0 : i32
    return %c0_i32, %c0_i32_0 : i32, i32
  }
  func.func @transform_2(%arg0: i32) -> (i32, i32) {
    %c0_i32 = arith.constant 0 : i32
    %c0_i32_0 = arith.constant 0 : i32
    %c0_i32_1 = arith.constant 0 : i32
    return %c0_i32, %c0_i32_0 : i32, i32
  }
  func.func @transform_3(%arg0: i32) -> (i32, i32) {
    %c0_i32 = arith.constant 0 : i32
    %c0_i32_0 = arith.constant 0 : i32
    %c0_i32_1 = arith.constant 0 : i32
    return %c0_i32, %c0_i32_0 : i32, i32
  }
  func.func @transform_4(%arg0: i32) -> (i32, i32) {
    %c0_i32 = arith.constant 0 : i32
    %c0_i32_0 = arith.constant 0 : i32
    %c0_i32_1 = arith.constant 0 : i32
    return %c0_i32, %c0_i32_0 : i32, i32
  }
  func.func @transform_5(%arg0: i32) -> (i32, i32) {
    %c0_i32 = arith.constant 0 : i32
    %c0_i32_0 = arith.constant 0 : i32
    return %arg0, %c0_i32 : i32, i32
  }
}

</mosaic_0001>

<sc_bundles>
// kernel: kernel.11.cloned.1.call-start
scs
__scs_entry_jumppad:
0x0: {  	(pc) =	sbr.rel $0x88, $3  }
0x1: {  	(tag) =	ssettag $0x0;
	lr =	simm.s32 $0x1  }
0x2: {  	[smem:$0x3F92] =	sst lr;
	_ =	strace $0xD0000000  }
0x3: {  	_ = 	snop  }
0x4: {  	_ = 	snop  }
0x5: {  	_ = 	snop  }
0x6: {  	_ = 	snop  }
0x7: {  	_ = 	snop  }
__scs_overlays_trampoline_lowered:
0x8: {  	[smem:$0x3FA1] =	sst s0  }
0x9: {  	[smem:$0x3FA2] =	sst s1  }
0xa: {  	[smem:$0x3FA3] =	sst s2  }
0xb: {  	[smem:$0x3FA4] =	sst s3  }
0xc: {  	[smem:$0x3FA5] =	sst s4  }
0xd: {  	[smem:$0x3FA6] =	sst s5  }
0xe: {  	[smem:$0x3FA7] =	sst s6  }
0xf: {  	[smem:$0x3FA8] =	sst s7  }
0x10: {  	[smem:$0x3FA9] =	sst s8  }
0x11: {  	[smem:$0x3FAA] =	sst s9;
	s0 =	simm.s32 @!p0 $0x0  }
0x12: {  	s1 =	sld [smem:$0x3F90];
	s0 =	simm.s32 @p0 $0x1  }
0x13: {  	[smem:$0x3FAB] =	sst s0;
	s0 =	simm.s32 @!p1 $0x0  }
0x14: {  	s2 =	sld [smem:$0x3F8F];
	s0 =	simm.s32 @p1 $0x1  }
0x15: {  	[smem:$0x3FAC] =	sst s0;
	s0 =	simm.s32 @!p2 $0x0  }
0x16: {  	s3 =	sld [smem:$0x3FDB];
	s0 =	simm.s32 @p2 $0x1  }
0x17: {  	s4 =	simm.s32 $0x1BF5;
	[smem:$0x3FAE] =	sst s0  }
0x18: {  	s0 =	sld [smem:$0x3F91];
	_ =	swait.ge [sflag:s4], $0x0  }
0x19: {  	s7 =	sld [smem:$0x3F92]  }
0x1a: {  	s8 =	sadd.s32 $0xFFFFE003, lr  }
0x1b: {  	s9 =	sadd.s32 $0xFFFFFEF7, lr;
	s5 =	simm.s32 $0xFFFFFFFF;
	p2 =	slt.u32 s8, $0xFFFFF086  }
0x1c: {  	p1 =	slt.u32 s9, $0xF7A;
	s5 =	simm.s32 @!p2 $0x0  }
0x1d: {  	s5 =	simm.s32 @p1 $0x1;
	p0 =	seq.s32 s7, s2  }
0x1e: {  	s7 =	smul.u32 @!p0 $0xF7A, s2;
	p2 =	seq.s32 @!p0 s5, $0x0  }
0x1f: {  	s9 =	smul.u32 $0xF7A, s1;
	s8 =	simm.s32 @!p0 $0x1BF5;
	p2 =	por !p2, p0  }
0x20: {  	[sflag:s8] =	ssyncset.s32 @!p0 $0xFFFFF086;
	s6 =	sadd.s32 @!p0 s3, s7;
	s7 =	simm.s32 @!p0 $0x108  }
0x21: {  	s3 =	sadd.s32 s3, s9;
	s6 =	sadd.s32 @!p0 $0x88, s6;
	s7 =	simm.s32 @p2 $0x1082  }
0x22: {  	[simem:s7], [sflag:s8] =	dma.local @!p0 [hbm:s6], $0xF7A  }
0x23: {  	s9 =	sor.u32 $0xD0000000, s2;
	s6 =	simm.s32 $0x108;
	_ =	swait.ge @!p0 [sflag:s8], $0x0  }
0x24: {  	s3 =	sadd.s32 $0x88, s3;
	s6 =	simm.s32 @!p1 $0x1082;
	[sflag:s4] =	ssyncset.s32 $0xFFFFF086  }
0x25: {  	[simem:s6], [sflag:s4] =	dma.local [hbm:s3], $0xF7A  }
0x26: {  	[smem:$0x3F92] =	sst s1;
	(tag) =	ssettag s2;
	_ =	strace s9  }
0x27: {  	s1 =	sld [smem:$0x3FA2]  }
0x28: {  	s2 =	sld [smem:$0x3FA3]  }
0x29: {  	s4 =	sld [smem:$0x3FA5]  }
0x2a: {  	p0 =	seq.s32 s5, $0x0;
	s5 =	sld [smem:$0x3FA6]  }
0x2b: {  	s6 =	sld [smem:$0x3FA7]  }
0x2c: {  	s7 =	sld [smem:$0x3FA8]  }
0x2d: {  	s3 =	simm.s32 $0x108;
	s8 =	sld [smem:$0x3FA9]  }
0x2e: {  	s3 =	simm.s32 @!p0 $0x1082;
	s9 =	sld [smem:$0x3FAA]  }
0x2f: {  	lr =	sadd.s32 s0, s3;
	s0 =	sld [smem:$0x3FA1]  }
0x30: {  	s3 =	sld [smem:$0x3FA4]  }
0x31: {  	[smem:$0x3FAD] =	sst s10  }
0x32: {  	s10 =	sld [smem:$0x3FAB];
	_ =	sdelay $0x3  }
0x33: {  	p0 =	seq.s32 s10, $0x1;
	s10 =	sld [smem:$0x3FAD];
	_ =	sdelay $0x3  }
0x34: {  	[smem:$0x3FAD] =	sst s10  }
0x35: {  	s10 =	sld [smem:$0x3FAC];
	_ =	sdelay $0x3  }
0x36: {  	p1 =	seq.s32 s10, $0x1;
	s10 =	sld [smem:$0x3FAD];
	_ =	sdelay $0x3  }
0x37: {  	[smem:$0x3FAD] =	sst s10  }
0x38: {  	s10 =	sld [smem:$0x3FAE]  }
0x39: {  	_ = 	snop;
	(pc) =	sbr.ind lr, $3  }
0x3a: {  	_ = 	snop  }
0x3b: {  	_ = 	snop  }
0x3c: {  	p2 =	seq.s32 s10, $0x1;
	s10 =	sld [smem:$0x3FAD]  }
0x3d: {  	_ =	shalt  }
0x3e: {  	_ =	shalt  }
0x3f: {  	_ =	shalt  }
0x40: {  	_ =	shalt  }
0x41: {  	_ =	shalt  }
0x42: {  	_ =	shalt  }
0x43: {  	_ =	shalt  }
0x44: {  	_ =	shalt  }
0x45: {  	_ =	shalt  }
0x46: {  	_ =	shalt  }
0x47: {  	_ =	shalt  }
0x48: {  	_ =	shalt  }
0x49: {  	_ =	shalt  }
0x4a: {  	_ =	shalt  }
0x4b: {  	_ =	shalt  }
0x4c: {  	_ =	shalt  }
0x4d: {  	_ =	shalt  }
0x4e: {  	_ =	shalt  }
0x4f: {  	_ =	shalt  }
0x50: {  	_ =	shalt  }
0x51: {  	_ =	shalt  }
0x52: {  	_ =	shalt  }
0x53: {  	_ =	shalt  }
0x54: {  	_ =	shalt  }
0x55: {  	_ =	shalt  }
0x56: {  	_ =	shalt  }
0x57: {  	_ =	shalt  }
0x58: {  	_ =	shalt  }
0x59: {  	_ =	shalt  }
0x5a: {  	_ =	shalt  }
0x5b: {  	_ =	shalt  }
0x5c: {  	_ =	shalt  }
0x5d: {  	_ =	shalt  }
0x5e: {  	_ =	shalt  }
0x5f: {  	_ =	shalt  }
0x60: {  	_ =	shalt  }
0x61: {  	_ =	shalt  }
0x62: {  	_ =	shalt  }
0x63: {  	_ =	shalt  }
0x64: {  	_ =	shalt  }
0x65: {  	_ =	shalt  }
0x66: {  	_ =	shalt  }
0x67: {  	_ =	shalt  }
0x68: {  	_ =	shalt  }
0x69: {  	_ =	shalt  }
0x6a: {  	_ =	shalt  }
0x6b: {  	_ =	shalt  }
0x6c: {  	_ =	shalt  }
0x6d: {  	_ =	shalt  }
0x6e: {  	_ =	shalt  }
0x6f: {  	_ =	shalt  }
0x70: {  	_ =	shalt  }
0x71: {  	_ =	shalt  }
0x72: {  	_ =	shalt  }
0x73: {  	_ =	shalt  }
0x74: {  	_ =	shalt  }
0x75: {  	_ =	shalt  }
0x76: {  	_ =	shalt  }
0x77: {  	_ =	shalt  }
0x78: {  	_ =	shalt  }
0x79: {  	_ =	shalt  }
0x7a: {  	_ =	shalt  }
0x7b: {  	_ =	shalt  }
0x7c: {  	_ =	shalt  }
0x7d: {  	_ =	shalt  }
0x7e: {  	_ =	shalt  }
0x7f: {  	_ =	shalt  }
0x80: {  	_ =	shalt  }
0x81: {  	_ =	shalt  }
0x82: {  	_ =	shalt  }
0x83: {  	_ =	shalt  }
0x84: {  	_ =	shalt  }
0x85: {  	_ =	shalt  }
0x86: {  	_ =	shalt  }
0x87: {  	_ =	shalt  }
.Lfunc_end0:
.L_simem_size_0:
called_computation.2_lowered:
.L_overlay_start_0:
0x88: {  	s2 =	sld [smem:$0x3FD9]  }
0x89: {  	s3 =	sld [smem:$0x3FFE];
	_ =	sdelay $0x1  }
0x8a: {  	s1 =	srdreg.scid  }
0x8b: {  	s0 =	sand.u32 $0x1, s1  }
0x8c: {  	s16 =	sshll.u32 s0, $0xA;
	s2 =	sadd.s32 s3, s2  }
0x8d: {  	s2 =	sadd.s32 s2, s16  }
0x8e: {  	[smem:$0x3FB9] =	sst s2  }
0x8f: {  	_ = 	snop  }
0x90: {  	(tm) =	ssettm $0x1  }
0x91: {  	s17 =	sld [smem:$0x3FFB];
	_ =	sdelay $0x3  }
0x92: {  	_ =	strace s17  }
0x93: {  	s2 =	sld [smem:$0x3FFC];
	_ =	sdelay $0x3  }
0x94: {  	_ =	strace s2  }
0x95: {  	s2 =	sld [smem:$0x3FFD];
	_ =	sdelay $0x3  }
0x96: {  	_ =	strace s2  }
0x97: {  	_ =	strace $0x8FFFFFFF  }
0x98: {  	s18 =	sld [smem:$0x3FDB];
	_ =	sdelay $0x1  }
0x99: {  	s19 =	simm.s32 $_scs_section_size  }
0x9a: {  	s4 =	simm.s32 $_size__tile_overlayer_lowered;
	s5 =	simm.s32 $_tile_overlayer_lowered  }
0x9b: {  	s22 =	simm.s32 $0x1BFF;
	s21 =	sshll.u32 s5, $0x1;
	s2 =	sadd.s32 s19, s18  }
0x9c: {  	s6 =	simm.s32 $0x0;
	s20 =	sshll.u32 s4, $0x1;
	s4 =	sadd.s32 s21, s2  }
0x9d: {  	[timem:s6], [sflag:s22] =	dma.local [hbm:s4], s20  }
0x9e: {  	_ =	swait.ge [sflag:s22], s20  }
0x9f: {  	s3 =	ssub.s32 $0x0, s20;
	[sflag:s22] =	ssyncset.done $0x0  }
0xa0: {  	[sflag:s22] =	ssyncadd.s32 s3;
	_ =	sdelay $0x1  }
0xa1: {  	s23 =	simm.s32 $0x1B8B  }
0xa2: {  	_ =	swait.ge [sflag:s23], $0x1  }
0xa3: {  	[sflag:s23] =	ssyncset.done $0x0  }
0xa4: {  	s25 =	simm.s32 $0x1B8E;
	s24 =	sld [smem:$0x3FFE];
	[sflag:s23] =	ssyncadd.s32 $0xFFFFFFFF  }
0xa5: {  	s26 =	simm.s32 $execute0_lowered;
	[smem:$0x3FD2] =	sst s25  }
0xa6: {  	s4 =	sshll.u32 s26, $0x1;
	_ =	strace $0x8000004C;
	[dreg:$0x1] =	wrdreg $0xFFFFFFFF  }
0xa7: {  	s28 =	simm.s32 $_size_execute0_lowered;
	s2 =	sadd.s32 s2, s4;
	[dreg:$0x0] =	wrdreg $0x0  }
0xa8: {  	s4 =	sshll.u32 s28, $0x1;
	[dreg:$0x2] =	wrdreg s2  }
0xa9: {  	[dreg:$0x3] =	wrdreg s4  }
0xaa: {  	[dreg:$0x4] =	wrdreg $0xC0  }
0xab: {  	_ =	task [dreg:s6], $0x5FFFF  }
0xac: {  	[dreg:$0x1] =	wrdreg $0xFFFFFFFF  }
0xad: {  	[dreg:$0x0] =	wrdreg $0x60  }
0xae: {  	[dreg:$0x2] =	wrdreg s24  }
0xaf: {  	[dreg:$0x3] =	wrdreg $0x9  }
0xb0: {  	_ =	task.clear_ibuf [dreg:s6], $0x4FFFF;
	_ =	strace $0x9000004C  }
0xb1: {  	s29 =	simm.s32 $0x9;
	_ =	strace $0x8000004E  }
0xb2: {  	_ =	swait.ge [sflag:s29], $0x1  }
0xb3: {  	[sflag:s29] =	ssyncadd.s32 $0xFFFFFFFF  }
0xb4: {  	_ =	strace $0x9000004E  }
0xb5: {  	_ =	sfence  }
0xb6: {  	s30 =	sld [smem:$0x0];
	_ =	sdelay $0x2  }
0xb7: {  	s31 =	sshll.u32 s1, $0xD;
	s1 =	sshrl.u32 s1, $0x2  }
0xb8: {  	s3 =	sand.u32 $0x4000, s31;
	s1 =	sadd.s32 s1, s30  }
0xb9: {  	s0 =	sor.u32 s3, s0;
	s1 =	sshll.u32 s1, $0x11  }
0xba: {  	s0 =	sor.u32 s1, s0  }
0xbb: {  	s0 =	sadd.s32 $0x8F2B, s0  }
0xbc: {  	[sflag:s0] =	ssyncadd.remote.s32 $0x1  }
0xbd: {  	_ =	sfence.sel $0xFFFF  }
0xbe: {  	[dreg:$0x0] =	wrdreg $0xFFFFFFFF;
	(pc) =	sbr.abs _section_cstart, $3  }
0xbf: {  	[dreg:$0x1] =	wrdreg $0xFFFFFFFF  }
0xc0: {  	_ =	task.clear_ibuf [dreg:s6], $0x2FFFF;
	_ =	strace $0x9FFFFFFF  }
0xc1: {  	(tm) =	ssettm $0x7FFFFFFF  }
tec
execute0_lowered:
.L_overlay_start_1:
0x0: {  	(tag) =	ssettag $0x1  }
0x1: {  	s5 =	rddreg [dreg:$0x0]  }
0x2: {  	s0 =	rddreg [dreg:$0x1];
	s1 =	simm.s32 $0x0  }
0x3: {  	s2 =	srdreg.scid;
	s12 =	simm.s32 $0x400;
	s13 =	simm.s32 $0x280  }
0x4: {  	s14 =	simm.s32 $0x4400;
	s15 =	simm.s32 $0x300;
	s16 =	simm.s32 $0x8400  }
0x5: {  	s17 =	simm.s32 $0x380;
	s18 =	simm.s32 $0xC400;
	s19 =	simm.s32 $0x1  }
0x6: {  	s20 =	simm.s32 $0x0;
	[smem:$0x7FF] =	sst s1;
	s6 =	sand.u32 $0x1, s2  }
0x7: {  	s3 =	sadd.s32 $0x1132800, s5;
	s4 =	sadd.s32 $0x11B2800, s5;
	s2 =	stileid.u32  }
0x8: {  	s5 =	sadd.s32 $0x19D2800, s5;
	_ =	strace $0x8000004D;
	s7 =	ssub.s32 $0x2, s6  }
0x9: {  	s31 =	sshll.u32 s2, $0x12;
	s9 =	sshll.u32 s6, $0x11;
	s10 =	sshll.u32 s2, $0x9  }
0xa: {  	s11 =	sshll.u32 s6, $0x8;
	s8 =	sshrl.u32 s7, $0x1;
	s6 =	sor.u32 s9, s31  }
0xb: {  	s9 =	simm.s32 $0x2;
	s7 =	ssub.s32 s7, s8;
	s8 =	sor.u32 s11, s10  }
0xc: {  	v0 =	vlaneseq.u32;
	s10 =	simm.s32 $0x80;
	s11 =	simm.s32 $0x200;
	s7 =	smax.u32 s7, $0x1  }
.LBB2_1:
0xd: {  	s21 =	smov.u32 s8;
	s22 =	simm.s32 $0x0  }
.LBB2_2:
0xe: {  	s23 =	sshll.u32 s22, $0x9  }
0xf: {  	s23 =	sadd.s32 s6, s23  }
0x10: {  	s24 =	sshrl.u32 s23, $0x3  }
0x11: {  	s25 =	simm.s32 $0x0;
	s24 =	sadd.s32 s3, s24  }
0x12: {  	[tilespmem:s25], [sflag:$0x2] =	stream.linear.gather [hbm4b:s24+s25], $0x200, $0x38;
	[tilespmem:$0x10400] =	vst v63  }
0x13: {  	_ =	swait.ge [sflag:s9], $0x200  }
0x14: {  	[sflag:s9] =	ssyncset.done $0x0  }
0x15: {  	s24 =	simm.s32 $0x0;
	[sflag:s9] =	ssyncadd.s32 $0xFFFFFE00  }
0x16: {  	v1 =	vld [tilespmem:s24+$0x0];
	_ =	sdelay $0x2  }
0x17: {  	s26 =	sand.u32 $0x1FF0, s21  }
0x18: {  	s28 =	sor.u32 $0x80000, s26;
	s26 =	smov.u32 s21;
	s25 =	simm.s32 $0x40  }
.LBB2_3:
0x19: {  	s29 =	sshra.s32 s25, $0x2;
	p0 =	sne.s32 s25, $0x7C0;
	s25 =	sadd.s32 $0x40, s25;
	v2 =	vor.u32 s28, v0;
	vm0 =	vlt.s32 v1, $0x0  }
.Ltmp0:
0x1a: {  	v2 =	vsel vm0, v2, v1;
	v1 =	vld [tilespmem:s29+$0x0];
	(pc) =	sbr.rel @p0 .LBB2_3-.Ltmp0, $4  }
0x1b: {  	[tilespmem:s24+$0x200] =	vst v2;
	s24 =	smov.u32 s29  }
0x1c: {  	s26 =	sadd.s32 $0x10, s26  }
0x1d: {  	s28 =	sand.u32 $0x1FF0, s26  }
0x1e: {  	s28 =	sor.u32 $0x80000, s28  }
0x1f: {  	v2 =	vor.u32 s28, v0;
	vm0 =	vlt.s32 v1, $0x0  }
0x20: {  	v1 =	vsel vm0, v2, v1  }
0x21: {  	[tilespmem:s24+$0x200] =	vst v1  }
0x22: {  	[tilespmem:s12], [sflag:$0x1] =	stream.indirect.gather [hbm4b:s4+s10], $0x80, s11, s10, $0xb8;
	[tilespmem:$0x10400] =	vst v63  }
0x23: {  	_ = 	snop  }
0x24: {  	[tilespmem:s14], [sflag:$0x1] =	stream.indirect.gather [hbm4b:s4+s10], $0x80, s13, s10, $0xb8;
	[tilespmem:$0x10400] =	vst v63  }
0x25: {  	_ = 	snop  }
0x26: {  	[tilespmem:s16], [sflag:$0x1] =	stream.indirect.gather [hbm4b:s4+s10], $0x80, s15, s10, $0xb8;
	[tilespmem:$0x10400] =	vst v63  }
0x27: {  	_ = 	snop  }
0x28: {  	[tilespmem:s18], [sflag:$0x1] =	stream.indirect.gather [hbm4b:s4+s10], $0x80, s17, s10, $0xb8;
	[tilespmem:$0x10400] =	vst v63  }
0x29: {  	_ =	swait.ge [sflag:s19], $0x4000  }
0x2a: {  	[sflag:s19] =	ssyncset.done $0x0  }
0x2b: {  	[sflag:s19] =	ssyncadd.s32 $0xFFFFC000  }
0x2c: {  	_ =	swait.ge [sflag:s19], $0x4000  }
0x2d: {  	[sflag:s19] =	ssyncset.done $0x0  }
0x2e: {  	[sflag:s19] =	ssyncadd.s32 $0xFFFFC000  }
0x2f: {  	_ =	swait.ge [sflag:s19], $0x4000  }
0x30: {  	[sflag:s19] =	ssyncset.done $0x0  }
0x31: {  	[sflag:s19] =	ssyncadd.s32 $0xFFFFC000  }
0x32: {  	s22 =	sadd.s32 $0x1, s22;
	_ =	swait.ge [sflag:s19], $0x4000  }
0x33: {  	s23 =	sshll.u32 s23, $0x4;
	p0 =	sne.s32 s22, $0x100;
	[sflag:s19] =	ssyncset.done $0x0  }
.Ltmp1:
0x34: {  	s23 =	sadd.s32 s5, s23;
	[sflag:s19] =	ssyncadd.s32 $0xFFFFC000;
	(pc) =	sbr.rel @p0 .LBB2_2-.Ltmp1, $4  }
0x35: {  	[hbm4b:s23+s1] =	stream.linear.scatter [tilespmem:s12], [sflag:$0x2], $0x10000, $0x38;
	[tilespmem:$0x10400] =	vst v63  }
0x36: {  	_ =	swait.ge [sflag:s9], $0x10000  }
0x37: {  	[sflag:s9] =	ssyncset.done $0x0  }
0x38: {  	s21 =	sadd.s32 $0x70, s21;
	[sflag:s9] =	ssyncadd.s32 $0xFFFF0000  }
0x39: {  	s20 =	sadd.s32 $0x1, s20  }
0x3a: {  	p0 =	sne.s32 s20, s7  }
.Ltmp2:
0x3b: {  	_ = 	snop;
	(pc) =	sbr.rel @p0 .LBB2_1-.Ltmp2, $1  }
0x3c: {  	_ =	sdelay $0x3  }
0x3d: {  	_ =	sfence.sel $0x180000  }
0x3e: {  	[bflag:$0x0] =	sbarrier.arrive $0xFFFF  }
0x3f: {  	p0 =	sne.s32 s2, $0x0;
	_ =	strace $0x9000004D  }
0x40: {  	s0 =	sadd.s32 @!p0 $0x100000, s0;
	[bflag:$0x2] =	sbarrier.arrive $0xFFFF  }
0x41: {  	[sflag:s0] =	ssyncadd.tile.s32 @!p0 $0x1;
	_ =	shalt  }
.Lfunc_end2:
_tile_overlayer_lowered:
.L_overlay_start_2:
0x42: {  	(tag) =	ssettag $0x2  }
0x43: {  	s0 =	rddreg [dreg:$0x0];
	s2 =	stileid.u32  }
0x44: {  	s1 =	rddreg [dreg:$0x1];
	p0 =	sne.s32 s2, $0x0  }
0x45: {  	s3 =	rddreg [dreg:$0x2];
	[bflag:$0x3] =	sbarrier.arrive $0xFFFF;
	s2 =	simm.s32 @!p0 $0x1C02  }
0x46: {  	[timem:s3], [sflag:s2] =	dma.local @!p0 [hbm:s0], s1  }
0x47: {  	s0 =	simm.s32 @!p0 $0x2  }
0x48: {  	_ =	swait.ge @!p0 [sflag:s0], s1  }
0x49: {  	s1 =	ssub.s32 @!p0 $0x0, s1;
	[sflag:s0] =	ssyncset.done @!p0 $0x0  }
0x4a: {  	[sflag:s0] =	ssyncadd.s32 @!p0 s1  }
0x4b: {  	[bflag:$0x3] =	sbarrier.arrive $0xFFFF  }
0x4c: {  	_ =	shalt  }

// kernel: kernel.8.cloned.1.call-start
scs
__scs_entry_jumppad:
0x0: {  	(pc) =	sbr.rel $0x88, $3  }
0x1: {  	(tag) =	ssettag $0x0;
	lr =	simm.s32 $0x1  }
0x2: {  	[smem:$0x3F92] =	sst lr;
	_ =	strace $0xD0000000  }
0x3: {  	_ = 	snop  }
0x4: {  	_ = 	snop  }
0x5: {  	_ = 	snop  }
0x6: {  	_ = 	snop  }
0x7: {  	_ = 	snop  }
__scs_overlays_trampoline_lowered:
0x8: {  	[smem:$0x3FA1] =	sst s0  }
0x9: {  	[smem:$0x3FA2] =	sst s1  }
0xa: {  	[smem:$0x3FA3] =	sst s2  }
0xb: {  	[smem:$0x3FA4] =	sst s3  }
0xc: {  	[smem:$0x3FA5] =	sst s4  }
0xd: {  	[smem:$0x3FA6] =	sst s5  }
0xe: {  	[smem:$0x3FA7] =	sst s6  }
0xf: {  	[smem:$0x3FA8] =	sst s7  }
0x10: {  	[smem:$0x3FA9] =	sst s8  }
0x11: {  	[smem:$0x3FAA] =	sst s9;
	s0 =	simm.s32 @!p0 $0x0  }
0x12: {  	s1 =	sld [smem:$0x3F90];
	s0 =	simm.s32 @p0 $0x1  }
0x13: {  	[smem:$0x3FAB] =	sst s0;
	s0 =	simm.s32 @!p1 $0x0  }
0x14: {  	s2 =	sld [smem:$0x3F8F];
	s0 =	simm.s32 @p1 $0x1  }
0x15: {  	[smem:$0x3FAC] =	sst s0;
	s0 =	simm.s32 @!p2 $0x0  }
0x16: {  	s3 =	sld [smem:$0x3FDB];
	s0 =	simm.s32 @p2 $0x1  }
0x17: {  	s4 =	simm.s32 $0x1BF5;
	[smem:$0x3FAE] =	sst s0  }
0x18: {  	s0 =	sld [smem:$0x3F91];
	_ =	swait.ge [sflag:s4], $0x0  }
0x19: {  	s7 =	sld [smem:$0x3F92]  }
0x1a: {  	s8 =	sadd.s32 $0xFFFFE003, lr  }
0x1b: {  	s9 =	sadd.s32 $0xFFFFFEF7, lr;
	s5 =	simm.s32 $0xFFFFFFFF;
	p2 =	slt.u32 s8, $0xFFFFF086  }
0x1c: {  	p1 =	slt.u32 s9, $0xF7A;
	s5 =	simm.s32 @!p2 $0x0  }
0x1d: {  	s5 =	simm.s32 @p1 $0x1;
	p0 =	seq.s32 s7, s2  }
0x1e: {  	s7 =	smul.u32 @!p0 $0xF7A, s2;
	p2 =	seq.s32 @!p0 s5, $0x0  }
0x1f: {  	s9 =	smul.u32 $0xF7A, s1;
	s8 =	simm.s32 @!p0 $0x1BF5;
	p2 =	por !p2, p0  }
0x20: {  	[sflag:s8] =	ssyncset.s32 @!p0 $0xFFFFF086;
	s6 =	sadd.s32 @!p0 s3, s7;
	s7 =	simm.s32 @!p0 $0x108  }
0x21: {  	s3 =	sadd.s32 s3, s9;
	s6 =	sadd.s32 @!p0 $0x88, s6;
	s7 =	simm.s32 @p2 $0x1082  }
0x22: {  	[simem:s7], [sflag:s8] =	dma.local @!p0 [hbm:s6], $0xF7A  }
0x23: {  	s9 =	sor.u32 $0xD0000000, s2;
	s6 =	simm.s32 $0x108;
	_ =	swait.ge @!p0 [sflag:s8], $0x0  }
0x24: {  	s3 =	sadd.s32 $0x88, s3;
	s6 =	simm.s32 @!p1 $0x1082;
	[sflag:s4] =	ssyncset.s32 $0xFFFFF086  }
0x25: {  	[simem:s6], [sflag:s4] =	dma.local [hbm:s3], $0xF7A  }
0x26: {  	[smem:$0x3F92] =	sst s1;
	(tag) =	ssettag s2;
	_ =	strace s9  }
0x27: {  	s1 =	sld [smem:$0x3FA2]  }
0x28: {  	s2 =	sld [smem:$0x3FA3]  }
0x29: {  	s4 =	sld [smem:$0x3FA5]  }
0x2a: {  	p0 =	seq.s32 s5, $0x0;
	s5 =	sld [smem:$0x3FA6]  }
0x2b: {  	s6 =	sld [smem:$0x3FA7]  }
0x2c: {  	s7 =	sld [smem:$0x3FA8]  }
0x2d: {  	s3 =	simm.s32 $0x108;
	s8 =	sld [smem:$0x3FA9]  }
0x2e: {  	s3 =	simm.s32 @!p0 $0x1082;
	s9 =	sld [smem:$0x3FAA]  }
0x2f: {  	lr =	sadd.s32 s0, s3;
	s0 =	sld [smem:$0x3FA1]  }
0x30: {  	s3 =	sld [smem:$0x3FA4]  }
0x31: {  	[smem:$0x3FAD] =	sst s10  }
0x32: {  	s10 =	sld [smem:$0x3FAB];
	_ =	sdelay $0x3  }
0x33: {  	p0 =	seq.s32 s10, $0x1;
	s10 =	sld [smem:$0x3FAD];
	_ =	sdelay $0x3  }
0x34: {  	[smem:$0x3FAD] =	sst s10  }
0x35: {  	s10 =	sld [smem:$0x3FAC];
	_ =	sdelay $0x3  }
0x36: {  	p1 =	seq.s32 s10, $0x1;
	s10 =	sld [smem:$0x3FAD];
	_ =	sdelay $0x3  }
0x37: {  	[smem:$0x3FAD] =	sst s10  }
0x38: {  	s10 =	sld [smem:$0x3FAE]  }
0x39: {  	_ = 	snop;
	(pc) =	sbr.ind lr, $3  }
0x3a: {  	_ = 	snop  }
0x3b: {  	_ = 	snop  }
0x3c: {  	p2 =	seq.s32 s10, $0x1;
	s10 =	sld [smem:$0x3FAD]  }
0x3d: {  	_ =	shalt  }
0x3e: {  	_ =	shalt  }
0x3f: {  	_ =	shalt  }
0x40: {  	_ =	shalt  }
0x41: {  	_ =	shalt  }
0x42: {  	_ =	shalt  }
0x43: {  	_ =	shalt  }
0x44: {  	_ =	shalt  }
0x45: {  	_ =	shalt  }
0x46: {  	_ =	shalt  }
0x47: {  	_ =	shalt  }
0x48: {  	_ =	shalt  }
0x49: {  	_ =	shalt  }
0x4a: {  	_ =	shalt  }
0x4b: {  	_ =	shalt  }
0x4c: {  	_ =	shalt  }
0x4d: {  	_ =	shalt  }
0x4e: {  	_ =	shalt  }
0x4f: {  	_ =	shalt  }
0x50: {  	_ =	shalt  }
0x51: {  	_ =	shalt  }
0x52: {  	_ =	shalt  }
0x53: {  	_ =	shalt  }
0x54: {  	_ =	shalt  }
0x55: {  	_ =	shalt  }
0x56: {  	_ =	shalt  }
0x57: {  	_ =	shalt  }
0x58: {  	_ =	shalt  }
0x59: {  	_ =	shalt  }
0x5a: {  	_ =	shalt  }
0x5b: {  	_ =	shalt  }
0x5c: {  	_ =	shalt  }
0x5d: {  	_ =	shalt  }
0x5e: {  	_ =	shalt  }
0x5f: {  	_ =	shalt  }
0x60: {  	_ =	shalt  }
0x61: {  	_ =	shalt  }
0x62: {  	_ =	shalt  }
0x63: {  	_ =	shalt  }
0x64: {  	_ =	shalt  }
0x65: {  	_ =	shalt  }
0x66: {  	_ =	shalt  }
0x67: {  	_ =	shalt  }
0x68: {  	_ =	shalt  }
0x69: {  	_ =	shalt  }
0x6a: {  	_ =	shalt  }
0x6b: {  	_ =	shalt  }
0x6c: {  	_ =	shalt  }
0x6d: {  	_ =	shalt  }
0x6e: {  	_ =	shalt  }
0x6f: {  	_ =	shalt  }
0x70: {  	_ =	shalt  }
0x71: {  	_ =	shalt  }
0x72: {  	_ =	shalt  }
0x73: {  	_ =	shalt  }
0x74: {  	_ =	shalt  }
0x75: {  	_ =	shalt  }
0x76: {  	_ =	shalt  }
0x77: {  	_ =	shalt  }
0x78: {  	_ =	shalt  }
0x79: {  	_ =	shalt  }
0x7a: {  	_ =	shalt  }
0x7b: {  	_ =	shalt  }
0x7c: {  	_ =	shalt  }
0x7d: {  	_ =	shalt  }
0x7e: {  	_ =	shalt  }
0x7f: {  	_ =	shalt  }
0x80: {  	_ =	shalt  }
0x81: {  	_ =	shalt  }
0x82: {  	_ =	shalt  }
0x83: {  	_ =	shalt  }
0x84: {  	_ =	shalt  }
0x85: {  	_ =	shalt  }
0x86: {  	_ =	shalt  }
0x87: {  	_ =	shalt  }
.Lfunc_end0:
.L_simem_size_0:
called_computation.1_lowered:
.L_overlay_start_0:
0x88: {  	s2 =	sld [smem:$0x3FD9]  }
0x89: {  	s3 =	sld [smem:$0x3FFE];
	_ =	sdelay $0x1  }
0x8a: {  	s1 =	srdreg.scid  }
0x8b: {  	s0 =	sand.u32 $0x1, s1  }
0x8c: {  	s16 =	sshll.u32 s0, $0xA;
	s2 =	sadd.s32 s3, s2  }
0x8d: {  	s2 =	sadd.s32 s2, s16  }
0x8e: {  	[smem:$0x3FB9] =	sst s2  }
0x8f: {  	_ = 	snop  }
0x90: {  	(tm) =	ssettm $0x1  }
0x91: {  	s17 =	sld [smem:$0x3FFB];
	_ =	sdelay $0x3  }
0x92: {  	_ =	strace s17  }
0x93: {  	s2 =	sld [smem:$0x3FFC];
	_ =	sdelay $0x3  }
0x94: {  	_ =	strace s2  }
0x95: {  	s2 =	sld [smem:$0x3FFD];
	_ =	sdelay $0x3  }
0x96: {  	_ =	strace s2  }
0x97: {  	_ =	strace $0x8FFFFFFF  }
0x98: {  	s18 =	sld [smem:$0x3FDB];
	_ =	sdelay $0x1  }
0x99: {  	s19 =	simm.s32 $_scs_section_size  }
0x9a: {  	s4 =	simm.s32 $_size__tile_overlayer_lowered;
	s5 =	simm.s32 $_tile_overlayer_lowered  }
0x9b: {  	s22 =	simm.s32 $0x1BFF;
	s21 =	sshll.u32 s5, $0x1;
	s2 =	sadd.s32 s19, s18  }
0x9c: {  	s6 =	simm.s32 $0x0;
	s20 =	sshll.u32 s4, $0x1;
	s4 =	sadd.s32 s21, s2  }
0x9d: {  	[timem:s6], [sflag:s22] =	dma.local [hbm:s4], s20  }
0x9e: {  	_ =	swait.ge [sflag:s22], s20  }
0x9f: {  	s3 =	ssub.s32 $0x0, s20;
	[sflag:s22] =	ssyncset.done $0x0  }
0xa0: {  	[sflag:s22] =	ssyncadd.s32 s3;
	_ =	sdelay $0x1  }
0xa1: {  	s23 =	simm.s32 $0x1B8B  }
0xa2: {  	_ =	swait.ge [sflag:s23], $0x1  }
0xa3: {  	[sflag:s23] =	ssyncset.done $0x0  }
0xa4: {  	s25 =	simm.s32 $0x1B8E;
	s24 =	sld [smem:$0x3FFE];
	[sflag:s23] =	ssyncadd.s32 $0xFFFFFFFF  }
0xa5: {  	s26 =	simm.s32 $execute0_lowered;
	[smem:$0x3FD2] =	sst s25  }
0xa6: {  	s4 =	sshll.u32 s26, $0x1;
	_ =	strace $0x80000046;
	[dreg:$0x1] =	wrdreg $0xFFFFFFFF  }
0xa7: {  	s28 =	simm.s32 $_size_execute0_lowered;
	s2 =	sadd.s32 s2, s4;
	[dreg:$0x0] =	wrdreg $0x0  }
0xa8: {  	s4 =	sshll.u32 s28, $0x1;
	[dreg:$0x2] =	wrdreg s2  }
0xa9: {  	[dreg:$0x3] =	wrdreg s4  }
0xaa: {  	[dreg:$0x4] =	wrdreg $0xC0  }
0xab: {  	_ =	task [dreg:s6], $0x5FFFF  }
0xac: {  	[dreg:$0x1] =	wrdreg $0xFFFFFFFF  }
0xad: {  	[dreg:$0x0] =	wrdreg $0x60  }
0xae: {  	[dreg:$0x2] =	wrdreg s24  }
0xaf: {  	[dreg:$0x3] =	wrdreg $0xA  }
0xb0: {  	_ =	task.clear_ibuf [dreg:s6], $0x4FFFF;
	_ =	strace $0x90000046  }
0xb1: {  	s29 =	simm.s32 $0xA;
	_ =	strace $0x80000048  }
0xb2: {  	_ =	swait.ge [sflag:s29], $0x1  }
0xb3: {  	[sflag:s29] =	ssyncadd.s32 $0xFFFFFFFF  }
0xb4: {  	_ =	strace $0x90000048  }
0xb5: {  	_ =	sfence  }
0xb6: {  	s30 =	sld [smem:$0x0];
	_ =	sdelay $0x2  }
0xb7: {  	s31 =	sshll.u32 s1, $0xD;
	s1 =	sshrl.u32 s1, $0x2  }
0xb8: {  	s3 =	sand.u32 $0x4000, s31;
	s1 =	sadd.s32 s1, s30  }
0xb9: {  	s0 =	sor.u32 s3, s0;
	s1 =	sshll.u32 s1, $0x11  }
0xba: {  	s0 =	sor.u32 s1, s0  }
0xbb: {  	s0 =	sadd.s32 $0x8F2B, s0  }
0xbc: {  	[sflag:s0] =	ssyncadd.remote.s32 $0x1  }
0xbd: {  	_ =	sfence.sel $0xFFFF  }
0xbe: {  	[dreg:$0x0] =	wrdreg $0xFFFFFFFF;
	(pc) =	sbr.abs _section_cstart, $3  }
0xbf: {  	[dreg:$0x1] =	wrdreg $0xFFFFFFFF  }
0xc0: {  	_ =	task.clear_ibuf [dreg:s6], $0x2FFFF;
	_ =	strace $0x9FFFFFFF  }
0xc1: {  	(tm) =	ssettm $0x7FFFFFFF  }
tec
execute0_lowered:
.L_overlay_start_1:
0x0: {  	(tag) =	ssettag $0x1  }
0x1: {  	s4 =	rddreg [dreg:$0x0];
	s2 =	srdreg.scid  }
0x2: {  	s0 =	rddreg [dreg:$0x1];
	s1 =	stileid.u32  }
0x3: {  	s9 =	simm.s32 $0x4000;
	s10 =	simm.s32 $0x8000;
	s11 =	simm.s32 $0x1  }
0x4: {  	s12 =	simm.s32 $0x2;
	s13 =	simm.s32 $0x0;
	s5 =	sand.u32 $0x1, s2  }
0x5: {  	s2 =	simm.s32 $0x0;
	s3 =	sshll.u32 s1, $0xF;
	s7 =	sshll.u32 s1, $0x13  }
0x6: {  	s6 =	sshll.u32 s5, $0xE;
	[smem:$0x7FF] =	sst s2;
	s8 =	ssub.s32 $0x2, s5  }
0x7: {  	s7 =	sadd.s32 s7, s4;
	s5 =	sshll.u32 s5, $0x12;
	s6 =	sor.u32 s6, s3  }
0x8: {  	_ =	strace $0x80000047;
	s3 =	sadd.s32 $0x11E00, s4;
	s30 =	sshrl.u32 s8, $0x1  }
0x9: {  	s31 =	sadd.s32 s5, s7;
	s6 =	sshrl.u32 s6, $0x3;
	s8 =	ssub.s32 s8, s30  }
0xa: {  	s7 =	simm.s32 $0x3;
	s6 =	sadd.s32 s6, s4;
	s5 =	smax.u32 s8, $0x1  }
0xb: {  	s8 =	simm.s32 $0x80;
	s4 =	sadd.s32 $0x1E00, s6;
	s6 =	sadd.s32 $0x111E00, s31  }
.LBB2_1:
0xc: {  	[tilespmem:s2], [sflag:$0x3] =	stream.linear.gather [hbm4b:s4+s2], $0x4000, $0x38;
	[tilespmem:$0xC000] =	vst v63  }
0xd: {  	_ =	swait.ge [sflag:s7], $0x4000  }
0xe: {  	[sflag:s7] =	ssyncset.done $0x0  }
0xf: {  	s14 =	simm.s32 $0x0;
	[sflag:s7] =	ssyncadd.s32 $0xFFFFC000  }
0x10: {  	[tilespmem:s9], [sflag:$0x1] =	stream.indirect.gather [hbm4b:s3+s8], $0x80, s14, s8, $0xb8;
	[tilespmem:$0xC000] =	vst v63  }
0x11: {  	s30 =	simm.s32 $0x80  }
0x12: {  	[tilespmem:s10], [sflag:$0x2] =	stream.indirect.gather [hbm4b:s3+s8], $0x80, s30, s8, $0xb8;
	[tilespmem:$0xC000] =	vst v63  }
0x13: {  	_ =	swait.ge [sflag:s11], $0x4000  }
0x14: {  	[sflag:s11] =	ssyncset.done $0x0  }
0x15: {  	[sflag:s11] =	ssyncadd.s32 $0xFFFFC000  }
0x16: {  	[hbm4b:s6+s2] =	stream.linear.scatter [tilespmem:s9], [sflag:$0x3], $0x4000, $0x38;
	[tilespmem:$0xC000] =	vst v63  }
0x17: {  	_ =	swait.ge [sflag:s7], $0x4000  }
0x18: {  	[sflag:s7] =	ssyncset.done $0x0  }
0x19: {  	[sflag:s7] =	ssyncadd.s32 $0xFFFFC000  }
0x1a: {  	_ =	swait.ge [sflag:s12], $0x4000  }
0x1b: {  	[sflag:s12] =	ssyncset.done $0x0  }
0x1c: {  	s31 =	sadd.s32 $0x800, s6;
	[sflag:s12] =	ssyncadd.s32 $0xFFFFC000  }
0x1d: {  	[hbm4b:s31+s2] =	stream.linear.scatter [tilespmem:s10], [sflag:$0x3], $0x4000, $0x38;
	[tilespmem:$0xC000] =	vst v63  }
0x1e: {  	s15 =	simm.s32 $0x400;
	_ =	swait.ge [sflag:s7], $0x4000  }
0x1f: {  	s16 =	simm.s32 $0x800;
	s14 =	sadd.s32 $0x1000, s6;
	[sflag:s7] =	ssyncset.done $0x0  }
.LBB2_2:
0x20: {  	s17 =	sshra.s32 s15, $0x2  }
0x21: {  	[sflag:s7] =	ssyncadd.s32 $0xFFFFC000;
	s15 =	smov.u32 s16;
	s18 =	sadd.s32 $0x400, s16  }
0x22: {  	[tilespmem:s9], [sflag:$0x1] =	stream.indirect.gather [hbm4b:s3+s8], $0x80, s17, s8, $0xb8;
	[tilespmem:$0xC000] =	vst v63  }
0x23: {  	p0 =	sne.s32 s16, $0xFC00;
	s16 =	sadd.s32 $0x80, s17  }
0x24: {  	[tilespmem:s10], [sflag:$0x2] =	stream.indirect.gather [hbm4b:s3+s8], $0x80, s16, s8, $0xb8;
	[tilespmem:$0xC000] =	vst v63  }
0x25: {  	_ =	swait.ge [sflag:s11], $0x4000  }
0x26: {  	[sflag:s11] =	ssyncset.done $0x0  }
0x27: {  	[sflag:s11] =	ssyncadd.s32 $0xFFFFC000  }
0x28: {  	[hbm4b:s14+s2] =	stream.linear.scatter [tilespmem:s9], [sflag:$0x3], $0x4000, $0x38;
	[tilespmem:$0xC000] =	vst v63  }
0x29: {  	_ =	swait.ge [sflag:s7], $0x4000  }
0x2a: {  	[sflag:s7] =	ssyncset.done $0x0  }
0x2b: {  	[sflag:s7] =	ssyncadd.s32 $0xFFFFC000  }
0x2c: {  	_ =	swait.ge [sflag:s12], $0x4000  }
.Ltmp0:
0x2d: {  	[sflag:s12] =	ssyncset.done $0x0;
	(pc) =	sbr.rel @p0 .LBB2_2-.Ltmp0, $4  }
0x2e: {  	s16 =	sadd.s32 $0x800, s14;
	[sflag:s12] =	ssyncadd.s32 $0xFFFFC000  }
0x2f: {  	[hbm4b:s16+s2] =	stream.linear.scatter [tilespmem:s10], [sflag:$0x3], $0x4000, $0x38;
	[tilespmem:$0xC000] =	vst v63  }
0x30: {  	_ =	swait.ge [sflag:s7], $0x4000  }
0x31: {  	s14 =	sadd.s32 $0x1000, s14;
	s16 =	smov.u32 s18;
	[sflag:s7] =	ssyncset.done $0x0  }
0x32: {  	s15 =	sshra.s32 s15, $0x2;
	[sflag:s7] =	ssyncadd.s32 $0xFFFFC000  }
0x33: {  	[tilespmem:s9], [sflag:$0x1] =	stream.indirect.gather [hbm4b:s3+s8], $0x80, s15, s8, $0xb8;
	[tilespmem:$0xC000] =	vst v63  }
0x34: {  	s15 =	sadd.s32 $0x80, s15  }
0x35: {  	[tilespmem:s10], [sflag:$0x2] =	stream.indirect.gather [hbm4b:s3+s8], $0x80, s15, s8, $0xb8;
	[tilespmem:$0xC000] =	vst v63  }
0x36: {  	_ =	swait.ge [sflag:s11], $0x4000  }
0x37: {  	[sflag:s11] =	ssyncset.done $0x0  }
0x38: {  	[sflag:s11] =	ssyncadd.s32 $0xFFFFC000  }
0x39: {  	[hbm4b:s14+s2] =	stream.linear.scatter [tilespmem:s9], [sflag:$0x3], $0x4000, $0x38;
	[tilespmem:$0xC000] =	vst v63  }
0x3a: {  	_ =	swait.ge [sflag:s7], $0x4000  }
0x3b: {  	[sflag:s7] =	ssyncset.done $0x0  }
0x3c: {  	[sflag:s7] =	ssyncadd.s32 $0xFFFFC000  }
0x3d: {  	s13 =	sadd.s32 $0x1, s13;
	_ =	swait.ge [sflag:s12], $0x4000  }
0x3e: {  	p0 =	sne.s32 s13, s5;
	[sflag:s12] =	ssyncset.done $0x0  }
.Ltmp1:
0x3f: {  	s31 =	sadd.s32 $0x800, s14;
	[sflag:s12] =	ssyncadd.s32 $0xFFFFC000;
	(pc) =	sbr.rel @p0 .LBB2_1-.Ltmp1, $4  }
0x40: {  	[hbm4b:s31+s2] =	stream.linear.scatter [tilespmem:s10], [sflag:$0x3], $0x4000, $0x38;
	[tilespmem:$0xC000] =	vst v63  }
0x41: {  	_ =	swait.ge [sflag:s7], $0x4000  }
0x42: {  	[sflag:s7] =	ssyncset.done $0x0  }
0x43: {  	[sflag:s7] =	ssyncadd.s32 $0xFFFFC000  }
0x44: {  	_ =	sfence.sel $0x180000  }
0x45: {  	[bflag:$0x0] =	sbarrier.arrive $0xFFFF  }
0x46: {  	p0 =	sne.s32 s1, $0x0;
	_ =	strace $0x90000047  }
0x47: {  	s0 =	sadd.s32 @!p0 $0x100000, s0;
	[bflag:$0x2] =	sbarrier.arrive $0xFFFF  }
0x48: {  	[sflag:s0] =	ssyncadd.tile.s32 @!p0 $0x1;
	_ =	shalt  }
.Lfunc_end2:
_tile_overlayer_lowered:
.L_overlay_start_2:
0x49: {  	(tag) =	ssettag $0x2  }
0x4a: {  	s0 =	rddreg [dreg:$0x0];
	s2 =	stileid.u32  }
0x4b: {  	s1 =	rddreg [dreg:$0x1];
	p0 =	sne.s32 s2, $0x0  }
0x4c: {  	s3 =	rddreg [dreg:$0x2];
	[bflag:$0x3] =	sbarrier.arrive $0xFFFF;
	s2 =	simm.s32 @!p0 $0x1C03  }
0x4d: {  	[timem:s3], [sflag:s2] =	dma.local @!p0 [hbm:s0], s1  }
0x4e: {  	s0 =	simm.s32 @!p0 $0x3  }
0x4f: {  	_ =	swait.ge @!p0 [sflag:s0], s1  }
0x50: {  	s1 =	ssub.s32 @!p0 $0x0, s1;
	[sflag:s0] =	ssyncset.done @!p0 $0x0  }
0x51: {  	[sflag:s0] =	ssyncadd.s32 @!p0 s1  }
0x52: {  	[bflag:$0x3] =	sbarrier.arrive $0xFFFF  }
0x53: {  	_ =	shalt  }

// kernel: scatter_offload_async_start
scs
__scs_entry_jumppad:
0x0: {  	(pc) =	sbr.rel $0x88, $3  }
0x1: {  	(tag) =	ssettag $0x0;
	lr =	simm.s32 $0x1  }
0x2: {  	[smem:$0x3F92] =	sst lr;
	_ =	strace $0xD0000000  }
0x3: {  	_ = 	snop  }
0x4: {  	_ = 	snop  }
0x5: {  	_ = 	snop  }
0x6: {  	_ = 	snop  }
0x7: {  	_ = 	snop  }
__scs_overlays_trampoline_lowered:
0x8: {  	[smem:$0x3FA1] =	sst s0  }
0x9: {  	[smem:$0x3FA2] =	sst s1  }
0xa: {  	[smem:$0x3FA3] =	sst s2  }
0xb: {  	[smem:$0x3FA4] =	sst s3  }
0xc: {  	[smem:$0x3FA5] =	sst s4  }
0xd: {  	[smem:$0x3FA6] =	sst s5  }
0xe: {  	[smem:$0x3FA7] =	sst s6  }
0xf: {  	[smem:$0x3FA8] =	sst s7  }
0x10: {  	[smem:$0x3FA9] =	sst s8  }
0x11: {  	[smem:$0x3FAA] =	sst s9;
	s0 =	simm.s32 @!p0 $0x0  }
0x12: {  	s1 =	sld [smem:$0x3F90];
	s0 =	simm.s32 @p0 $0x1  }
0x13: {  	[smem:$0x3FAB] =	sst s0;
	s0 =	simm.s32 @!p1 $0x0  }
0x14: {  	s2 =	sld [smem:$0x3F8F];
	s0 =	simm.s32 @p1 $0x1  }
0x15: {  	[smem:$0x3FAC] =	sst s0;
	s0 =	simm.s32 @!p2 $0x0  }
0x16: {  	s3 =	sld [smem:$0x3FDB];
	s0 =	simm.s32 @p2 $0x1  }
0x17: {  	s4 =	simm.s32 $0x1BF5;
	[smem:$0x3FAE] =	sst s0  }
0x18: {  	s0 =	sld [smem:$0x3F91];
	_ =	swait.ge [sflag:s4], $0x0  }
0x19: {  	s7 =	sld [smem:$0x3F92]  }
0x1a: {  	s8 =	sadd.s32 $0xFFFFE003, lr  }
0x1b: {  	s9 =	sadd.s32 $0xFFFFFEF7, lr;
	s5 =	simm.s32 $0xFFFFFFFF;
	p2 =	slt.u32 s8, $0xFFFFF086  }
0x1c: {  	p1 =	slt.u32 s9, $0xF7A;
	s5 =	simm.s32 @!p2 $0x0  }
0x1d: {  	s5 =	simm.s32 @p1 $0x1;
	p0 =	seq.s32 s7, s2  }
0x1e: {  	s7 =	smul.u32 @!p0 $0xF7A, s2;
	p2 =	seq.s32 @!p0 s5, $0x0  }
0x1f: {  	s9 =	smul.u32 $0xF7A, s1;
	s8 =	simm.s32 @!p0 $0x1BF5;
	p2 =	por !p2, p0  }
0x20: {  	[sflag:s8] =	ssyncset.s32 @!p0 $0xFFFFF086;
	s6 =	sadd.s32 @!p0 s3, s7;
	s7 =	simm.s32 @!p0 $0x108  }
0x21: {  	s3 =	sadd.s32 s3, s9;
	s6 =	sadd.s32 @!p0 $0x88, s6;
	s7 =	simm.s32 @p2 $0x1082  }
0x22: {  	[simem:s7], [sflag:s8] =	dma.local @!p0 [hbm:s6], $0xF7A  }
0x23: {  	s9 =	sor.u32 $0xD0000000, s2;
	s6 =	simm.s32 $0x108;
	_ =	swait.ge @!p0 [sflag:s8], $0x0  }
0x24: {  	s3 =	sadd.s32 $0x88, s3;
	s6 =	simm.s32 @!p1 $0x1082;
	[sflag:s4] =	ssyncset.s32 $0xFFFFF086  }
0x25: {  	[simem:s6], [sflag:s4] =	dma.local [hbm:s3], $0xF7A  }
0x26: {  	[smem:$0x3F92] =	sst s1;
	(tag) =	ssettag s2;
	_ =	strace s9  }
0x27: {  	s1 =	sld [smem:$0x3FA2]  }
0x28: {  	s2 =	sld [smem:$0x3FA3]  }
0x29: {  	s4 =	sld [smem:$0x3FA5]  }
0x2a: {  	p0 =	seq.s32 s5, $0x0;
	s5 =	sld [smem:$0x3FA6]  }
0x2b: {  	s6 =	sld [smem:$0x3FA7]  }
0x2c: {  	s7 =	sld [smem:$0x3FA8]  }
0x2d: {  	s3 =	simm.s32 $0x108;
	s8 =	sld [smem:$0x3FA9]  }
0x2e: {  	s3 =	simm.s32 @!p0 $0x1082;
	s9 =	sld [smem:$0x3FAA]  }
0x2f: {  	lr =	sadd.s32 s0, s3;
	s0 =	sld [smem:$0x3FA1]  }
0x30: {  	s3 =	sld [smem:$0x3FA4]  }
0x31: {  	[smem:$0x3FAD] =	sst s10  }
0x32: {  	s10 =	sld [smem:$0x3FAB];
	_ =	sdelay $0x3  }
0x33: {  	p0 =	seq.s32 s10, $0x1;
	s10 =	sld [smem:$0x3FAD];
	_ =	sdelay $0x3  }
0x34: {  	[smem:$0x3FAD] =	sst s10  }
0x35: {  	s10 =	sld [smem:$0x3FAC];
	_ =	sdelay $0x3  }
0x36: {  	p1 =	seq.s32 s10, $0x1;
	s10 =	sld [smem:$0x3FAD];
	_ =	sdelay $0x3  }
0x37: {  	[smem:$0x3FAD] =	sst s10  }
0x38: {  	s10 =	sld [smem:$0x3FAE]  }
0x39: {  	_ = 	snop;
	(pc) =	sbr.ind lr, $3  }
0x3a: {  	_ = 	snop  }
0x3b: {  	_ = 	snop  }
0x3c: {  	p2 =	seq.s32 s10, $0x1;
	s10 =	sld [smem:$0x3FAD]  }
0x3d: {  	_ =	shalt  }
0x3e: {  	_ =	shalt  }
0x3f: {  	_ =	shalt  }
0x40: {  	_ =	shalt  }
0x41: {  	_ =	shalt  }
0x42: {  	_ =	shalt  }
0x43: {  	_ =	shalt  }
0x44: {  	_ =	shalt  }
0x45: {  	_ =	shalt  }
0x46: {  	_ =	shalt  }
0x47: {  	_ =	shalt  }
0x48: {  	_ =	shalt  }
0x49: {  	_ =	shalt  }
0x4a: {  	_ =	shalt  }
0x4b: {  	_ =	shalt  }
0x4c: {  	_ =	shalt  }
0x4d: {  	_ =	shalt  }
0x4e: {  	_ =	shalt  }
0x4f: {  	_ =	shalt  }
0x50: {  	_ =	shalt  }
0x51: {  	_ =	shalt  }
0x52: {  	_ =	shalt  }
0x53: {  	_ =	shalt  }
0x54: {  	_ =	shalt  }
0x55: {  	_ =	shalt  }
0x56: {  	_ =	shalt  }
0x57: {  	_ =	shalt  }
0x58: {  	_ =	shalt  }
0x59: {  	_ =	shalt  }
0x5a: {  	_ =	shalt  }
0x5b: {  	_ =	shalt  }
0x5c: {  	_ =	shalt  }
0x5d: {  	_ =	shalt  }
0x5e: {  	_ =	shalt  }
0x5f: {  	_ =	shalt  }
0x60: {  	_ =	shalt  }
0x61: {  	_ =	shalt  }
0x62: {  	_ =	shalt  }
0x63: {  	_ =	shalt  }
0x64: {  	_ =	shalt  }
0x65: {  	_ =	shalt  }
0x66: {  	_ =	shalt  }
0x67: {  	_ =	shalt  }
0x68: {  	_ =	shalt  }
0x69: {  	_ =	shalt  }
0x6a: {  	_ =	shalt  }
0x6b: {  	_ =	shalt  }
0x6c: {  	_ =	shalt  }
0x6d: {  	_ =	shalt  }
0x6e: {  	_ =	shalt  }
0x6f: {  	_ =	shalt  }
0x70: {  	_ =	shalt  }
0x71: {  	_ =	shalt  }
0x72: {  	_ =	shalt  }
0x73: {  	_ =	shalt  }
0x74: {  	_ =	shalt  }
0x75: {  	_ =	shalt  }
0x76: {  	_ =	shalt  }
0x77: {  	_ =	shalt  }
0x78: {  	_ =	shalt  }
0x79: {  	_ =	shalt  }
0x7a: {  	_ =	shalt  }
0x7b: {  	_ =	shalt  }
0x7c: {  	_ =	shalt  }
0x7d: {  	_ =	shalt  }
0x7e: {  	_ =	shalt  }
0x7f: {  	_ =	shalt  }
0x80: {  	_ =	shalt  }
0x81: {  	_ =	shalt  }
0x82: {  	_ =	shalt  }
0x83: {  	_ =	shalt  }
0x84: {  	_ =	shalt  }
0x85: {  	_ =	shalt  }
0x86: {  	_ =	shalt  }
0x87: {  	_ =	shalt  }
.Lfunc_end0:
.L_simem_size_0:
called_computation_lowered:
.L_overlay_start_0:
0x88: {  	s0 =	sld [smem:$0x3FD9]  }
0x89: {  	s1 =	sld [smem:$0x3FFE];
	_ =	sdelay $0x3  }
0x8a: {  	s0 =	sadd.s32 s1, s0  }
0x8b: {  	[smem:$0x3FB9] =	sst s0  }
0x8c: {  	_ = 	snop  }
0x8d: {  	(tm) =	ssettm $0x1  }
0x8e: {  	s15 =	sld [smem:$0x3FFB];
	_ =	sdelay $0x3  }
0x8f: {  	_ =	strace s15  }
0x90: {  	s0 =	sld [smem:$0x3FFC];
	_ =	sdelay $0x3  }
0x91: {  	_ =	strace s0  }
0x92: {  	s0 =	sld [smem:$0x3FFD];
	_ =	sdelay $0x3  }
0x93: {  	_ =	strace s0  }
0x94: {  	_ =	strace $0x8FFFFFFF  }
0x95: {  	s16 =	sld [smem:$0x3FDB];
	_ =	sdelay $0x1  }
0x96: {  	s17 =	simm.s32 $_scs_section_size  }
0x97: {  	s2 =	simm.s32 $_size__tile_overlayer_lowered;
	s3 =	simm.s32 $_tile_overlayer_lowered  }
0x98: {  	s20 =	simm.s32 $0x1BFF;
	s19 =	sshll.u32 s3, $0x1;
	s0 =	sadd.s32 s17, s16  }
0x99: {  	s4 =	simm.s32 $0x0;
	s18 =	sshll.u32 s2, $0x1;
	s2 =	sadd.s32 s19, s0  }
0x9a: {  	[timem:s4], [sflag:s20] =	dma.local [hbm:s2], s18  }
0x9b: {  	_ =	swait.ge [sflag:s20], s18  }
0x9c: {  	s1 =	ssub.s32 $0x0, s18;
	[sflag:s20] =	ssyncset.done $0x0  }
0x9d: {  	[sflag:s20] =	ssyncadd.s32 s1;
	_ =	sdelay $0x1  }
0x9e: {  	s21 =	simm.s32 $0x1B8B  }
0x9f: {  	_ =	swait.ge [sflag:s21], $0x1  }
0xa0: {  	[sflag:s21] =	ssyncset.done $0x0  }
0xa1: {  	s23 =	simm.s32 $0x1B8E;
	s22 =	sld [smem:$0x3FFE];
	[sflag:s21] =	ssyncadd.s32 $0xFFFFFFFF  }
0xa2: {  	s24 =	simm.s32 $execute0_lowered;
	[smem:$0x3FD2] =	sst s23  }
0xa3: {  	s2 =	sshll.u32 s24, $0x1;
	_ =	strace $0x80000049;
	[dreg:$0x1] =	wrdreg $0xFFFFFFFF  }
0xa4: {  	s25 =	simm.s32 $_size_execute0_lowered;
	s0 =	sadd.s32 s0, s2;
	[dreg:$0x0] =	wrdreg $0x0  }
0xa5: {  	s2 =	sshll.u32 s25, $0x1;
	[dreg:$0x2] =	wrdreg s0  }
0xa6: {  	[dreg:$0x3] =	wrdreg s2  }
0xa7: {  	[dreg:$0x4] =	wrdreg $0xC0  }
0xa8: {  	_ =	task [dreg:s4], $0x5FFFF  }
0xa9: {  	[dreg:$0x1] =	wrdreg $0xFFFFFFFF  }
0xaa: {  	[dreg:$0x0] =	wrdreg $0x60  }
0xab: {  	[dreg:$0x2] =	wrdreg s22  }
0xac: {  	[dreg:$0x3] =	wrdreg $0x9  }
0xad: {  	_ =	task.clear_ibuf [dreg:s4], $0x4FFFF;
	_ =	strace $0x90000049  }
0xae: {  	s26 =	simm.s32 $0x9;
	_ =	strace $0x8000004B  }
0xaf: {  	_ =	swait.ge [sflag:s26], $0x1  }
0xb0: {  	[sflag:s26] =	ssyncadd.s32 $0xFFFFFFFF  }
0xb1: {  	_ =	strace $0x9000004B  }
0xb2: {  	_ =	sfence  }
0xb3: {  	s28 =	sld [smem:$0x0];
	_ =	sdelay $0x1  }
0xb4: {  	s29 =	srdreg.scid  }
0xb5: {  	s30 =	sshll.u32 s29, $0xD;
	s31 =	sshrl.u32 s29, $0x2  }
0xb6: {  	s1 =	sand.u32 $0x1, s29;
	s2 =	sand.u32 $0x4000, s30;
	s0 =	sadd.s32 s31, s28  }
0xb7: {  	s1 =	sor.u32 s2, s1;
	s0 =	sshll.u32 s0, $0x11  }
0xb8: {  	s0 =	sor.u32 s0, s1  }
0xb9: {  	s0 =	sadd.s32 $0x8F2B, s0  }
0xba: {  	[sflag:s0] =	ssyncadd.remote.s32 $0x1  }
0xbb: {  	_ =	sfence.sel $0xFFFF  }
0xbc: {  	[dreg:$0x0] =	wrdreg $0xFFFFFFFF;
	(pc) =	sbr.abs _section_cstart, $3  }
0xbd: {  	[dreg:$0x1] =	wrdreg $0xFFFFFFFF  }
0xbe: {  	_ =	task.clear_ibuf [dreg:s4], $0x2FFFF;
	_ =	strace $0x9FFFFFFF  }
0xbf: {  	(tm) =	ssettm $0x7FFFFFFF  }
tec
execute0_lowered:
.L_overlay_start_1:
0x0: {  	(tag) =	ssettag $0x1  }
0x1: {  	s0 =	rddreg [dreg:$0x0];
	_ =	strace $0x8000004A;
	s2 =	simm.s32 $0x1  }
0x2: {  	v1 =	vimm.s32 $0xFFFFFFFF;
	[sflag:s2] =	ssyncpa.u1 $0x0  }
0x3: {  	[tilespmem:$0x10] =	vst v1  }
0x4: {  	v0 =	vimm.s32 $0x80000000;
	[tilespmem:$0x20] =	vst v1  }
0x5: {  	[tilespmem:$0x30] =	vst v0  }
0x6: {  	[tilespmem:$0x40] =	vst v0  }
0x7: {  	s3 =	simm.s32 $0x2;
	s6 =	simm.s32 $0x7;
	[tilespmem:$0x50] =	vst v0  }
0x8: {  	s30 =	stileid.u32;
	s7 =	simm.s32 $0x8;
	s31 =	simm.s32 $0x9;
	[tilespmem:$0x60] =	vst v1  }
0x9: {  	s14 =	simm.s32 $0x0;
	s15 =	simm.s32 $0xFFFFE000;
	p0 =	por $0x0, $0x0;
	[tilespmem:$0x70] =	vst v1  }
0xa: {  	s16 =	simm.s32 $0xFFFFC100;
	s17 =	simm.s32 $0xFFFFFFFE;
	s18 =	simm.s32 $0xF;
	[tilespmem:$0x80] =	vst v1  }
0xb: {  	s19 =	simm.s32 $0x30;
	s22 =	simm.s32 $0x0;
	s1 =	sadd.s32 $0x1132800, s0;
	v1 =	vimm.s32 $0x0;
	[tilespmem:$0xB0] =	vst v0  }
.Ltmp0:
0xc: {  	s20 =	simm.s32 $0x0;
	s4 =	sadd.s32 $0x1112800, s0;
	[tilespmem:$0x90] =	vst v1;
	(pc) =	sbr.rel .LBB2_1-.Ltmp0, $4  }
0xd: {  	s5 =	sadd.s32 $0x1122800, s0;
	s8 =	sshll.u32 s30, $0xF;
	[tilespmem:$0xA0] =	vst v1;
	[sflag:s3] =	ssyncpa.u1 $0x0  }
0xe: {  	s10 =	sshll.u32 s30, $0x1;
	s12 =	sshllo.u32 s30, $0x1;
	[sflag:s6] =	ssyncpa.u1 $0x0  }
0xf: {  	vm0 =	vmmov $0xffff;
	v2 =	vlaneseq.u32;
	s9 =	sadd.s32 $0x8000, s8;
	s11 =	sor.u32 $0x81, s10;
	[sflag:s7] =	ssyncpa.u1 $0x0  }
0x10: {  	vm1 =	vmxor vm1, vm1;
	vm2 =	vmmov $0x1;
	vm3 =	vcmask $0x3F3C;
	s13 =	sor.u32 $0x80, s10;
	s21 =	smov.u32 s8;
	[sflag:s31] =	ssyncpa.u1 $0x0  }
.LBB2_10:
0x11: {  	p1 =	slt.u32 s20, $0x3  }
0x12: {  	s0 =	simm.s32 @!p1 $0x2  }
0x13: {  	_ =	swait.ge @!p1 [sflag:s0], $0x2000  }
0x14: {  	[sflag:s0] =	ssyncset.done @!p1 $0x0  }
0x15: {  	[sflag:s0] =	ssyncadd.s32 @!p1 $0xFFFFE000;
	s0 =	simm.s32 @!p1 $0x9  }
0x16: {  	_ =	swait.ge @!p1 [sflag:s0], $0x10  }
0x17: {  	s3 =	sadd.s32 $0x2000, s21;
	s20 =	sadd.s32 $0x1, s20;
	[sflag:s0] =	ssyncset.done @!p1 $0x0  }
0x18: {  	[sflag:s0] =	ssyncadd.s32 @!p1 $0xFFFFFFF0;
	p1 =	slt.s32 s3, s9;
	s0 =	smov.u32 s8  }
0x19: {  	s0 =	smov.u32 @p1 s3;
	p1 =	sne.s32 s20, $0x7  }
.Ltmp1:
0x1a: {  	_ = 	snop;
	(pc) =	sbr.rel @!p1 .LBB2_11-.Ltmp1, $3  }
0x1b: {  	_ =	sdelay $0x1  }
0x1c: {  	s15 =	sadd.s32 $0x2000, s15;
	s22 =	smov.u32 s21;
	p0 =	por !p0, !p0  }
0x1d: {  	s16 =	sadd.s32 $0x2000, s16;
	s17 =	sadd.s32 $0x1, s17;
	s21 =	smov.u32 s0  }
.LBB2_1:
0x1e: {  	p1 =	sgt.u32 s20, $0x3  }
0x1f: {  	p2 =	seq.s32 @!p1 s20, $0x3  }
0x20: {  	s0 =	sshll.u32 @!p1 s20, $0xF;
	p2 =	por !p2, p1  }
0x21: {  	s0 =	simm.s32 @!p2 $0x0  }
0x22: {  	s23 =	sshrl.u32 @!p1 s21, $0x3;
	s0 =	sshrl.u32 @!p1 s0, $0x2  }
0x23: {  	s24 =	sand.u32 @!p1 $0x7, s21;
	s23 =	sadd.s32 @!p1 s4, s23;
	s0 =	sor.u32 @!p1 $0x100, s0  }
0x24: {  	[tilespmem:s0], [sflag:$0x7] =	stream.linear.gather @!p1 [hbm4b:s23+s24], $0x2000, $0x38;
	[tilespmem:$0x12120] =	vst v63  }
0x25: {  	s0 =	sadd.s32 $0xFFFFFFFF, s20  }
0x26: {  	p1 =	sgt.u32 s0, $0x3  }
.Ltmp2:
0x27: {  	_ = 	snop;
	(pc) =	sbr.rel @p1 .LBB2_5-.Ltmp2, $1  }
0x28: {  	_ =	sdelay $0x3  }
0x29: {  	s23 =	sadd.s32 $0x1FFFC, s20;
	p1 =	seq.s32 s0, $0x3;
	s24 =	smov.u32 s0  }
0x2a: {  	s24 =	smov.u32 @p1 s23  }
0x2b: {  	s23 =	sshll.u32 s24, $0xF  }
0x2c: {  	_ =	swait.ge [sflag:s6], $0x2000;
	s23 =	sshra.s32 s23, $0x2  }
0x2d: {  	[sflag:s6] =	ssyncset.done $0x0;
	s28 =	sor.u32 $0x100, s23  }
0x2e: {  	[sflag:s6] =	ssyncadd.s32 $0xFFFFE000;
	(ifvalue) =	ssetifvalue $0xFFFFFFFF;
	v3 =	vld.msk [tilespmem:s28+$0x0 ss:$0x1], $0xffff;
	_ =	sdelay $0x2  }
0x2f: {  	p1 =	sne.s32 s20, $0x1  }
0x30: {  	v4 =	vimm.s32 @!p1 $0x0  }
0x31: {  	v4 =	vperm.xlane @!p1 v3, v4  }
0x32: {  	s29 =	sshll.u32 s20, $0x4;
	vm4 =	vlt.u32 v3, $0x400000  }
0x33: {  	s24 =	sand.u32 $0x10, s29;
	v3 =	vnsel vm4, $0xFFFFFFFE, v3;
	vm4 =	vlt.u32 @!p1 v4, $0x400000  }
0x34: {  	[tilespmem:s24+$0x60] =	vst v3;
	v3 =	vnsel @!p1 vm4, $0xFFFFFFFE, v4  }
0x35: {  	s26 =	sadd.s32 $0x20F0, s23;
	[tilespmem:$0x80] =	vst @!p1 v3  }
0x36: {  	v3 =	vld.msk [tilespmem:s26+$0x0 ss:$0x1], $0xffff;
	_ =	sdelay $0x4  }
0x37: {  	(xrf1) =	vunique.msk.u32 $0xffff, v3;
	_ =	sdelay $0xd  }
0x38: {  	v4 =	vimm.s32 $0xFFFFFFFF;
	v5, _, _ =	vpop (xrf1)  }
0x39: {  	vm5 =	vne.s32 v3, v4;
	vm4 =	veq.s32 v5, v2  }
0x3a: {  	vm6 =	vlt.u32 v3, $0x400000;
	vm4 =	vmand vm5, vm4  }
0x3b: {  	vm4 =	vmand vm6, vm4  }
0x3c: {  	v4 =	vnsel vm4, $0xFFFFFFFF, v3;
	_ =	sdelay $0x2  }
0x3d: {  	s30 =	sand.u32 $0x2000, s15  }
0x3e: {  	s31 =	sshll.u32 s0, $0xD;
	s23 =	sor.u32 $0x80F0, s30;
	(ifvalue) =	ssetifvalue $0xFFFFFFFF  }
0x3f: {  	v3 =	vperm.xlane v3, v1;
	[tilespmem:s23], [sflag:$0x8] =	stream.indirect_vreg.gather [hbm4b:s1+s14], $0x1, v4, vm0, $0x4038;
	v4 =	vnsel vm6, $0xFFFFFFFE, v4;
	[tilespmem:$0x12120] =	vst v63  }
0x40: {  	s0 =	simm.s32 $0x0;
	s25 =	sadd.s32 $0xFFFFFFF0, s26;
	s24 =	sand.u32 $0x2000, s31;
	[tilespmem:s26+$0x0] =	vst v4  }
.LBB2_3:
0x41: {  	v4 =	vld.msk [tilespmem:s25+$0x0 ss:$0x1], $0xffff;
	s0 =	sadd.s32 $0x10, s0;
	v5 =	vmov v3;
	s26 =	smov.u32 s25  }
0x42: {  	p1 =	slt.u32 s0, $0x1FF0;
	_ =	sdelay $0x4  }
0x43: {  	v3 =	vperm.xlane v4, v1;
	(xrf1) =	vunique.msk.u32 $0xffff, v4;
	_ =	sdelay $0xd  }
0x44: {  	v6, _, _ =	vpop (xrf1)  }
0x45: {  	vm5 =	vne.s32 v4, v5;
	vm4 =	veq.s32 v6, v2  }
0x46: {  	vm6 =	vlt.u32 v4, $0x400000;
	vm4 =	vmand vm5, vm4  }
0x47: {  	vm4 =	vmand vm6, vm4  }
0x48: {  	v4 =	vnsel vm4, $0xFFFFFFFF, v4  }
.Ltmp3:
0x49: {  	v5 =	vnsel vm6, $0xFFFFFFFE, v4;
	(pc) =	sbr.rel @p1 .LBB2_3-.Ltmp3, $3  }
0x4a: {  	_ =	sdelay $0x1  }
0x4b: {  	s25 =	sadd.s32 $0xFFFFFFF0, s25;
	s23 =	sadd.s32 $0xFFFFFFF0, s23;
	(ifvalue) =	ssetifvalue $0xFFFFFFFF  }
0x4c: {  	[tilespmem:s23], [sflag:$0x8] =	stream.indirect_vreg.gather [hbm4b:s1+s14], $0x1, v4, vm0, $0x4038;
	[tilespmem:s26+$0x0] =	vst v5  }
0x4d: {  	s0 =	sshrl.u32 s22, $0x3  }
0x4e: {  	s31 =	sadd.s32 $0xA100, s24;
	s0 =	sadd.s32 s5, s0  }
0x4f: {  	[tilespmem:s31], [sflag:$0x8] =	stream.linear.gather [hbm:s0], $0x2000, $0x38;
	[tilespmem:$0x12120] =	vst v63  }
.LBB2_5:
0x50: {  	p1 =	sgt.u32 s20, $0x6  }
.Ltmp4:
0x51: {  	_ = 	snop;
	(pc) =	sbr.rel @p1 .LBB2_7-.Ltmp4, $1  }
0x52: {  	_ =	sdelay $0x3  }
0x53: {  	s0 =	sshll.u32 s2, s20  }
0x54: {  	s0 =	sand.u32 $0x43, s0  }
0x55: {  	p1 =	sne.s32 s0, $0x0  }
.Ltmp5:
0x56: {  	_ = 	snop;
	(pc) =	sbr.rel @p1 .LBB2_10-.Ltmp5, $1  }
0x57: {  	_ =	sdelay $0x3  }
.LBB2_7:
0x58: {  	s0 =	sadd.s32 $0xFFFFFFFE, s20  }
0x59: {  	s22 =	smulhi.u32 $0xAAAAAAAB, s0;
	_ =	sdelay $0x1  }
0x5a: {  	s22 =	sshrl.u32 s22, $0x1  }
0x5b: {  	s22 =	smul.u32 $0x3, s22;
	_ =	sdelay $0x1  }
0x5c: {  	_ =	swait.ge [sflag:s7], $0x4000;
	s0 =	ssub.s32 s0, s22  }
0x5d: {  	p1 =	sne.s32 s20, $0x5;
	[sflag:s7] =	ssyncset.done $0x0;
	s0 =	sshll.u32 s0, $0xD  }
0x5e: {  	[sflag:s7] =	ssyncadd.s32 $0xFFFFC000;
	s22 =	sadd.s32 @!p1 $0x20FF, s0  }
0x5f: {  	[spmem:s11] =	stream.linear.scatter @!p1 [tilespmem:s22], [sflag:$0x1], $0x1, $0x38;
	[tilespmem:$0x12120] =	vst v63  }
0x60: {  	s22 =	simm.s32 @!p1 $0x1  }
0x61: {  	_ =	swait.ge @!p1 [sflag:s22], $0x1  }
0x62: {  	s23 =	sshll.u32 s20, $0x4;
	[sflag:s22] =	ssyncset.done @!p1 $0x0  }
0x63: {  	[sflag:s22] =	ssyncadd.s32 @!p1 $0xFFFFFFFF;
	s22 =	sand.u32 $0x10, s23  }
0x64: {  	v4 =	vld [tilespmem:s22+$0x10];
	s26 =	sxor.u32 $0x10, s22  }
0x65: {  	v5 =	vld [tilespmem:s26+$0x60]  }
0x66: {  	v3 =	vld [tilespmem:$0x80];
	_ =	sdelay $0x2  }
0x67: {  	(v2sf) =	vpush v4, $0x0  }
0x68: {  	(v2sf) =	vpush v5, $0x0  }
0x69: {  	(v2sf) =	vpush v3, $0x0;
	_ =	sdelay $0xc  }
0x6a: {  	s3 =	spop (v2sf)  }
0x6b: {  	s25 =	spop (v2sf)  }
0x6c: {  	s24 =	spop (v2sf)  }
0x6d: {  	p3 =	seq.s32 s3, s25;
	p2 =	seq.s32 s24, s3  }
0x6e: {  	p2 =	por p3, p2  }
0x6f: {  	v4 =	vpsel p2, $0xFFFFFFFF, v4  }
0x70: {  	s3 =	sand.u32 $0x1, s20;
	[tilespmem:s22+$0x10] =	vst.msk $0x1, v4  }
0x71: {  	s25 =	sshll.u32 s3, $0xD;
	v4 =	vld [tilespmem:$0x30]  }
0x72: {  	v5 =	vld [tilespmem:s25+$0xA100]  }
0x73: {  	v6 =	vld [tilespmem:s22+$0x40];
	_ =	sdelay $0x3  }
0x74: {  	vm4 =	vmmov vm1;
	vm6 =	vmmov vm2;
	vm5 =	vgt.s32 v4, v5  }
0x75: {  	vm4 =	vmmov @p3 vm2;
	s23 =	sshll.u32 s3, $0x4;
	v5 =	vsel vm5, v4, v5;
	vm5 =	vgt.s32 v4, v6  }
0x76: {  	vm6 =	vmmov @p2 vm1;
	s23 =	sor.u32 $0x12100, s23;
	v4 =	vsel vm5, v4, v6;
	[tilespmem:s25+$0xA100] =	vst.msk vm4, v5  }
0x77: {  	[tilespmem:s23+$0x0] =	vst.msk vm6, v4  }
0x78: {  	v4 =	vld [tilespmem:s25+$0x80F0];
	_ =	sdelay $0x4  }
0x79: {  	v4 =	vshift.insert v4, v1, s18  }
0x7a: {  	s28 =	sor.u32 $0x40, s26  }
0x7b: {  	v5 =	vimm.s32 $0x80000000;
	[tilespmem:s28+$0x0] =	vst.msk $0x1, v4  }
0x7c: {  	[tilespmem:s25+$0x80FF] =	vst.msk $0x1, v5  }
0x7d: {  	v4 =	vld [tilespmem:s0+$0x20F0];
	_ =	sdelay $0x2  }
0x7e: {  	s3 =	smulhi.u32 $0xAAAAAAAB, s17  }
0x7f: {  	s28 =	simm.s32 $0x1  }
0x80: {  	s28 =	simm.s32 @!p0 $0x0;
	s0 =	sshrl.u32 s3, $0x1;
	v4 =	vshift.insert v4, v1, s18  }
0x81: {  	s28 =	sshll.u32 s28, $0xD;
	s0 =	smul.u32 $0xFFFE8000, s0  }
0x82: {  	s29 =	sadd.s32 $0xA100, s28;
	[tilespmem:s26+$0x10] =	vst.msk $0x1, v4  }
0x83: {  	s0 =	sshra.s32 s0, $0x2;
	v6 =	vld [tilespmem:s29+$0x0]  }
0x84: {  	s0 =	sadd.s32 s0, s16  }
0x85: {  	v7 =	vld [tilespmem:s0+$0x0];
	_ =	sdelay $0x2  }
0x86: {  	vm4 =	vgt.s32 v6, v5  }
0x87: {  	v5 =	vsel vm4, v6, v5  }
0x88: {  	vm4 =	vne.s32 v7, $0xFFFFFFFF;
	v5 =	vxor.u32 $0x80000000, v5  }
0x89: {  	(xrf0) =	vmax.seg.scan.u32 vm4, v5  }
0x8a: {  	s3 =	sadd.s32 $0x6100, s28  }
0x8b: {  	v8 =	vld [tilespmem:s3+$0x0]  }
0x8c: {  	v6 =	vld [tilespmem:$0xA0];
	_ =	sdelay $0x2  }
0x8d: {  	v5 =	vperm.xlane v4, v1;
	v9, _, _ =	vpop (xrf0)  }
0x8e: {  	vm6 =	veq.s32 v7, v3;
	v9 =	vxor.u32 $0x80000000, v9  }
0x8f: {  	vm8 =	veq.s32 v7, v5;
	vm5 =	veq.s32 v6, $0x1;
	vm7 =	vgt.s32 v9, v8  }
0x90: {  	vm8 =	vmor vm8, vm6;
	v6 =	vsel vm7, v9, v8;
	vm7 =	vgt.u32 v7, $0xFFFFFFFD  }
0x91: {  	v10 =	vld [tilespmem:$0x90];
	vm9 =	vmand vm4, vm3;
	vm4 =	vmor vm5, vm6;
	vm5 =	vmor vm8, vm7  }
0x92: {  	v8 =	vsel vm5, $0xFFFFFFFF, v7;
	_ =	sdelay $0x1  }
0x93: {  	s30 =	sadd.s32 $0x10, s0  }
0x94: {  	s26 =	sadd.s32 $0xE100, s28;
	s28 =	simm.s32 $0x0;
	s29 =	sadd.s32 $0x10, s29;
	v11 =	vsel vm9, $0x80000000, v9;
	v6 =	vsel vm6, v9, v6  }
0x95: {  	s31 =	sadd.s32 $0x10, s26;
	s0 =	sadd.s32 $0x10, s3;
	[tilespmem:s26+$0x0] =	vst v6;
	v6 =	vsel vm6, v9, v10;
	v7 =	vshift.insert v11, v0, s18;
	(ifvalue) =	ssetifvalue $0xFFFFFFFF  }
.LBB2_8:
0x96: {  	[hbm4b:s1+s14] =	stream.indirect_vreg.scatter [tilespmem:s26], [sflag:$0x2], $0x1, v8, vm0, $0x4038;
	[tilespmem:$0x12120] =	vst v63  }
0x97: {  	s28 =	sadd.s32 $0x10, s28;
	s26 =	smov.u32 s31;
	v8 =	vld [tilespmem:s29+$0x0]  }
0x98: {  	p2 =	slt.u32 s28, $0x1FF0  }
0x99: {  	v9 =	vld [tilespmem:s30+$0x0];
	_ =	sdelay $0x2  }
0x9a: {  	vm5 =	vgt.s32 v8, v7  }
0x9b: {  	v7 =	vsel vm5, v8, v7  }
0x9c: {  	vm5 =	vne.s32 v9, $0xFFFFFFFF;
	v7 =	vxor.u32 $0x80000000, v7  }
0x9d: {  	(xrf0) =	vmax.seg.scan.u32 vm5, v7;
	_ =	sdelay $0x2  }
0x9e: {  	v7 =	vld [tilespmem:s0+$0x0];
	_ =	sdelay $0x1  }
0x9f: {  	vm6 =	veq.s32 v9, v3;
	vm7 =	veq.s32 v9, v5  }
0xa0: {  	vm8 =	vgt.u32 v9, $0xFFFFFFFD;
	vm4 =	vmor vm4, vm6;
	vm7 =	vmor vm7, vm6;
	v8, _, _ =	vpop (xrf0)  }
0xa1: {  	vm5 =	vmand vm5, vm3;
	vm7 =	vmor vm7, vm8;
	v10 =	vxor.u32 $0x80000000, v8  }
.Ltmp6:
0xa2: {  	v8 =	vsel vm7, $0xFFFFFFFF, v9;
	vm7 =	vgt.s32 v10, v7;
	v9 =	vsel vm5, $0x80000000, v10;
	(pc) =	sbr.rel @p2 .LBB2_8-.Ltmp6, $4  }
0xa3: {  	v6 =	vsel vm6, v10, v6;
	v11 =	vsel vm7, v10, v7;
	v7 =	vshift.insert v9, v0, s18  }
0xa4: {  	v9 =	vsel vm6, v10, v11  }
0xa5: {  	s29 =	sadd.s32 $0x10, s29;
	s30 =	sadd.s32 $0x10, s30;
	[tilespmem:s31+$0x0] =	vst v9  }
0xa6: {  	s0 =	sadd.s32 $0x10, s0;
	s31 =	sadd.s32 $0x10, s31;
	(ifvalue) =	ssetifvalue $0xFFFFFFFF  }
0xa7: {  	_ =	sdelay $0x3  }
0xa8: {  	[hbm4b:s1+s14] =	stream.indirect_vreg.scatter [tilespmem:s26], [sflag:$0x2], $0x1, v8, vm0, $0x4038;
	[tilespmem:$0x12120] =	vst v63  }
0xa9: {  	v3 =	vld [tilespmem:s25+$0x100F0];
	_ =	sdelay $0x4  }
0xaa: {  	v3 =	vshift.insert v3, v1, s18;
	_ =	sdelay $0x1  }
0xab: {  	[tilespmem:s19+$0x0] =	vst.msk $0x1, v3  }
0xac: {  	v3 =	vsel vm4, $0x1, v1;
	[tilespmem:$0x90] =	vst v6  }
0xad: {  	s0 =	sadd.s32 @!p1 $0x100FF, s25;
	[tilespmem:$0xA0] =	vst v3  }
0xae: {  	[spmem:s12] =	stream.linear.scatter @!p1 [tilespmem:s0], [sflag:$0x1], $0x1, $0x38;
	[tilespmem:$0x12120] =	vst v63  }
0xaf: {  	s0 =	simm.s32 @!p1 $0x1  }
0xb0: {  	v3 =	vmctz.xlane @!p1 vm4;
	_ =	swait.ge @!p1 [sflag:s0], $0x1  }
0xb1: {  	(v2sf) =	vpush @!p1 v4, $0x0  }
0xb2: {  	(v2sf) =	vpush @!p1 v3, $0x0;
	_ =	sdelay $0xd  }
0xb3: {  	s3 =	spop @!p1 (v2sf)  }
0xb4: {  	s25 =	spop @!p1 (v2sf)  }
0xb5: {  	p2 =	sne.s32 @!p1 s24, s3;
	p3 =	slt.s32 @!p1 s25, $0xF  }
0xb6: {  	[sflag:s0] =	ssyncset.done @!p1 $0x0;
	p2 =	por p2, p1;
	p3 =	por !p3, p1  }
0xb7: {  	[sflag:s0] =	ssyncadd.s32 @!p1 $0xFFFFFFFF;
	v3 =	vimm.s32 @!p2 $0xFFFFFFFF;
	s25 =	simm.s32 @p3 $0xF  }
0xb8: {  	[tilespmem:$0x80] =	vst @!p2 v3;
	s3 =	sadd.s32 @!p1 $0x90, s25  }
0xb9: {  	[spmem:s10] =	stream.linear.scatter @!p1 [tilespmem:s3], [sflag:$0x1], $0x1, $0x38;
	[tilespmem:$0x12120] =	vst v63  }
0xba: {  	_ =	swait.ge @!p1 [sflag:s0], $0x1  }
0xbb: {  	[sflag:s0] =	ssyncset.done @!p1 $0x0  }
0xbc: {  	s3 =	simm.s32 @!p1 $0x80;
	[sflag:s0] =	ssyncadd.s32 @!p1 $0xFFFFFFFF  }
0xbd: {  	[spmem:s13] =	stream.linear.scatter @!p1 [tilespmem:s3], [sflag:$0x1], $0x1, $0x38;
	[tilespmem:$0x12120] =	vst v63  }
0xbe: {  	_ =	swait.ge @!p1 [sflag:s0], $0x1  }
0xbf: {  	[sflag:s0] =	ssyncset.done @!p1 $0x0  }
0xc0: {  	[sflag:s0] =	ssyncadd.s32 @!p1 $0xFFFFFFFF;
	(ifvalue) =	ssetifvalue $0xFFFFFFFF;
	v3 =	vld [tilespmem:s22+$0x10];
	_ =	sdelay $0x3  }
.Ltmp7:
0xc1: {  	_ = 	snop;
	(pc) =	sbr.rel .LBB2_10-.Ltmp7, $3  }
0xc2: {  	_ =	sdelay $0x1  }
0xc3: {  	(ifvalue) =	ssetifvalue $0xFFFFFFFF  }
0xc4: {  	[hbm4b:s1+s14] =	stream.indirect_vreg.scatter [tilespmem:s23], [sflag:$0x9], $0x1, v3, vm0, $0x4038;
	[tilespmem:$0x12120] =	vst v63  }
.LBB2_11:
0xc5: {  	_ =	sfence.sel $0x180000  }
0xc6: {  	s0 =	simm.s32 $0x7;
	[bflag:$0x0] =	sbarrier.arrive $0xFFFF  }
0xc7: {  	s26 =	simm.s32 $0x8;
	[sflag:s0] =	ssyncpa.u1 $0x1  }
0xc8: {  	s28 =	simm.s32 $0x9;
	[sflag:s26] =	ssyncpa.u1 $0x1  }
0xc9: {  	[sflag:s28] =	ssyncpa.u1 $0x1  }
0xca: {  	_ =	sfence.stream.spmem  }
0xcb: {  	s29 =	simm.s32 $0x3;
	[bflag:$0x0] =	sbarrier.arrive $0xFFFF  }
0xcc: {  	s30 =	simm.s32 $0x4;
	[sflag:s29] =	ssyncpa.u1 $0x1  }
0xcd: {  	s31 =	simm.s32 $0x3C;
	s2 =	stileid.u32;
	[sflag:s30] =	ssyncpa.u1 $0x1  }
0xce: {  	p0 =	sne.s32 s2, $0x0;
	[sflag:s31] =	ssyncpa.u1 $0x1  }
0xcf: {  	s0 =	simm.s32 @p0 $0x1;
	_ =	sfence @p0  }
0xd0: {  	[sflag:s0] =	ssyncpa.u1 @p0 $0x1;
	s0 =	simm.s32 @p0 $0x2  }
0xd1: {  	[sflag:s0] =	ssyncpa.u1 @p0 $0x1  }
0xd2: {  	_ =	strace @p0 $0x9000004A  }
0xd3: {  	[bflag:$0x2] =	sbarrier.arrive @p0 $0xFFFF  }
0xd4: {  	_ =	shalt @p0  }
.LBB2_12:
0xd5: {  	_ =	sfence.stream.spmem;
	s0 =	simm.s32 $0x5  }
0xd6: {  	s2 =	simm.s32 $0x80;
	s3 =	simm.s32 $0xC0;
	[sflag:s0] =	ssyncpa.u1 $0x0  }
0xd7: {  	[tilespmem:s3], [sflag:$0x5] =	stream.linear.gather [spmem:s2], $0x20, $0x38;
	[tilespmem:$0x12120] =	vst v63  }
0xd8: {  	s30 =	simm.s32 $0xE0;
	s2 =	simm.s32 $0x0  }
0xd9: {  	[tilespmem:s30], [sflag:$0x5] =	stream.linear.gather [spmem:s2], $0x20, $0x38;
	[tilespmem:$0x12120] =	vst v63  }
.Ltmp8:
0xda: {  	_ = 	snop;
	(pc) =	sbr.rel .LBB2_13-.Ltmp8, $4  }
0xdb: {  	_ =	swait.ge [sflag:s0], $0x40  }
0xdc: {  	[sflag:s0] =	ssyncset.done $0x0  }
0xdd: {  	s31 =	simm.s32 $0x6;
	[sflag:s0] =	ssyncadd.s32 $0xFFFFFFC0  }
0xde: {  	s3 =	simm.s32 $0x0;
	[sflag:s31] =	ssyncpa.u1 $0x0  }
.LBB2_18:
0xdf: {  	p0 =	sgt.u32 s4, $0x3FFFFF  }
0xe0: {  	s0 =	sshrl.u32 @!p0 s4, $0x3  }
0xe1: {  	s4 =	sand.u32 @!p0 $0x7, s4;
	s5 =	simm.s32 @!p0 $0xB0;
	s0 =	sadd.s32 @!p0 s1, s0  }
0xe2: {  	[tilespmem:s5], [sflag:$0x6] =	stream.linear.gather @!p0 [hbm4b:s0+s4], $0x1, $0x38;
	[tilespmem:$0x12120] =	vst v63  }
0xe3: {  	s0 =	simm.s32 @!p0 $0x6  }
0xe4: {  	_ =	swait.ge @!p0 [sflag:s0], $0x1  }
0xe5: {  	[sflag:s0] =	ssyncset.done @!p0 $0x0  }
0xe6: {  	[sflag:s0] =	ssyncadd.s32 @!p0 $0xFFFFFFFF  }
0xe7: {  	v1 =	vld.msk @!p0 [tilespmem:$0xB0], $0x1  }
0xe8: {  	v2 =	vld.msk @!p0 [tilespmem:s3+$0xE0], $0x1;
	_ =	sdelay $0x4  }
0xe9: {  	vm0 =	vgt.s32 @!p0 v2, v1  }
0xea: {  	v1 =	vsel @!p0 vm0, v2, v1  }
0xeb: {  	[tilespmem:s3+$0xE0] =	vst.msk @!p0 $0x1, v1  }
0xec: {  	[tilespmem:s2+$0xC0] =	vst.msk $0x1, v0  }
0xed: {  	v0 =	vld.msk [tilespmem:s3+$0xE0], $0x1;
	_ =	sdelay $0x4  }
0xee: {  	[tilespmem:s2+$0xE0] =	vst.msk $0x1, v0;
	s2 =	sadd.s32 $0x1, s2  }
.LBB2_20:
0xef: {  	s3 =	sadd.s32 $0x1, s3  }
0xf0: {  	p0 =	sne.s32 s3, $0x20  }
.Ltmp9:
0xf1: {  	_ = 	snop;
	(pc) =	sbr.rel @!p0 .LBB2_21-.Ltmp9, $1  }
0xf2: {  	_ =	sdelay $0x3  }
.LBB2_13:
0xf3: {  	v0 =	vld.msk [tilespmem:s3+$0xC0], $0x1;
	_ =	sdelay $0x4  }
0xf4: {  	(v2sf) =	vpush v0, $0x0;
	_ =	sdelay $0xe  }
0xf5: {  	s4 =	spop (v2sf)  }
0xf6: {  	p0 =	seq.s32 s4, $0xFFFFFFFF  }
.Ltmp10:
0xf7: {  	_ = 	snop;
	(pc) =	sbr.rel @p0 .LBB2_20-.Ltmp10, $1  }
0xf8: {  	_ =	sdelay $0x3  }
0xf9: {  	p0 =	slt.s32 s2, $0x1  }
.Ltmp11:
0xfa: {  	_ = 	snop;
	(pc) =	sbr.rel @p0 .LBB2_18-.Ltmp11, $1  }
0xfb: {  	_ =	sdelay $0x3  }
0xfc: {  	s0 =	simm.s32 $0xC0;
	p0 =	por $0x0, $0x0  }
0xfd: {  	v1 =	vld.msk @!p0 [tilespmem:s0+$0x0], $0x1;
	_ =	sdelay $0x4  }
0xfe: {  	(v2sf) =	vpush @!p0 v1, $0x0;
	_ =	sdelay $0xd  }
0xff: {  	p2 =	sne.s32 s2, $0x1  }
.Ltmp12:
0x100: {  	s5 =	spop @!p0 (v2sf);
	(pc) =	sbr.rel @!p2 .LBB2_17-.Ltmp12, $4  }
0x101: {  	p1 =	seq.s32 @!p0 s4, s5  }
0x102: {  	s5 =	simm.s32 $0x0;
	p1 =	por !p1, p0  }
0x103: {  	s7 =	simm.s32 $0xFFFFFFFF;
	s5 =	simm.s32 @p1 $0xFFFFFFFF  }
0x104: {  	s6 =	simm.s32 $0x1;
	s5 =	smov.u32 @p0 s7  }
.LBB2_16:
0x105: {  	s7 =	smov.u32 s5;
	p0 =	sne.s32 s5, $0xFFFFFFFF  }
0x106: {  	s0 =	sadd.s32 $0x1, s0;
	s5 =	smov.u32 s6;
	s6 =	sadd.s32 $0x1, s6  }
0x107: {  	p1 =	sne.s32 s2, s6;
	v1 =	vld.msk @!p0 [tilespmem:s0+$0x0], $0x1;
	_ =	sdelay $0x4  }
0x108: {  	(v2sf) =	vpush @!p0 v1, $0x0;
	_ =	sdelay $0xe  }
.Ltmp13:
0x109: {  	s8 =	spop @!p0 (v2sf);
	(pc) =	sbr.rel @p1 .LBB2_16-.Ltmp13, $4  }
0x10a: {  	p2 =	seq.s32 @!p0 s4, s8  }
0x10b: {  	p2 =	por !p2, p0  }
0x10c: {  	s5 =	simm.s32 @p2 $0xFFFFFFFF  }
0x10d: {  	s5 =	smov.u32 @p0 s7  }
.LBB2_17:
0x10e: {  	p0 =	sne.s32 s5, $0xFFFFFFFF  }
.Ltmp14:
0x10f: {  	_ = 	snop;
	(pc) =	sbr.rel @!p0 .LBB2_18-.Ltmp14, $1  }
0x110: {  	_ =	sdelay $0x3  }
0x111: {  	v0 =	vld.msk [tilespmem:s3+$0xE0], $0x1  }
0x112: {  	v1 =	vld.msk [tilespmem:s5+$0xE0], $0x1;
	_ =	sdelay $0x2  }
.Ltmp15:
0x113: {  	_ = 	snop;
	(pc) =	sbr.rel .LBB2_20-.Ltmp15, $4  }
0x114: {  	_ = 	snop  }
0x115: {  	vm0 =	vgt.s32 v1, v0  }
0x116: {  	v0 =	vsel vm0, v1, v0  }
0x117: {  	[tilespmem:s5+$0xE0] =	vst.msk $0x1, v0  }
.LBB2_21:
0x118: {  	p0 =	slt.s32 s2, $0x1  }
.Ltmp16:
0x119: {  	_ = 	snop;
	(pc) =	sbr.rel @p0 .LBB2_25-.Ltmp16, $3  }
0x11a: {  	_ =	sdelay $0x1  }
0x11b: {  	s0 =	simm.s32 $0x6  }
0x11c: {  	s3 =	simm.s32 $0x0;
	[sflag:s0] =	ssyncpa.u1 $0x1  }
0x11d: {  	s0 =	simm.s32 $0xC0  }
0x11e: {  	v0 =	vld.msk [tilespmem:s0+$0x0], $0x1;
	_ =	sdelay $0x4  }
0x11f: {  	(v2sf) =	vpush v0, $0x0;
	_ =	sdelay $0xe  }
0x120: {  	s2 =	sadd.s32 $0xFFFFFFFF, s2;
	s4 =	spop (v2sf)  }
0x121: {  	p1 =	sne.s32 s2, $0x0;
	p0 =	sgt.u32 s4, $0x3FFFFF  }
.Ltmp17:
0x122: {  	s5 =	sshrl.u32 @!p0 s4, $0x3;
	(pc) =	sbr.rel @!p1 .LBB2_24-.Ltmp17, $4  }
0x123: {  	s0 =	simm.s32 $0xE0;
	s4 =	sand.u32 @!p0 $0x7, s4;
	s5 =	sadd.s32 @!p0 s1, s5  }
0x124: {  	[hbm4b:s5+s4] =	stream.linear.scatter @!p0 [tilespmem:s0], [sflag:$0x5], $0x1, $0x38;
	[tilespmem:$0x12120] =	vst v63  }
0x125: {  	s5 =	simm.s32 $0x0  }
0x126: {  	s4 =	simm.s32 $0xC1;
	s5 =	simm.s32 @!p0 $0x4  }
.LBB2_23:
0x127: {  	v0 =	vld.msk [tilespmem:s4+$0x0], $0x1;
	s2 =	sadd.s32 $0xFFFFFFFF, s2;
	s3 =	sadd.s32 s3, s5  }
0x128: {  	p0 =	sne.s32 s2, $0x0;
	_ =	sdelay $0x3  }
0x129: {  	(v2sf) =	vpush v0, $0x0;
	_ =	sdelay $0xe  }
.Ltmp18:
0x12a: {  	s6 =	spop (v2sf);
	(pc) =	sbr.rel @p0 .LBB2_23-.Ltmp18, $4  }
0x12b: {  	s5 =	simm.s32 $0x0;
	p1 =	sgt.u32 s6, $0x3FFFFF  }
0x12c: {  	s0 =	sadd.s32 $0x1, s0;
	s5 =	simm.s32 @!p1 $0x4;
	s7 =	sshrl.u32 @!p1 s6, $0x3  }
0x12d: {  	s4 =	sadd.s32 $0x1, s4;
	s6 =	sand.u32 @!p1 $0x7, s6;
	s7 =	sadd.s32 @!p1 s1, s7  }
0x12e: {  	[hbm4b:s7+s6] =	stream.linear.scatter @!p1 [tilespmem:s0], [sflag:$0x5], $0x1, $0x38;
	[tilespmem:$0x12120] =	vst v63  }
.LBB2_24:
0x12f: {  	s0 =	sadd.s32 s3, s5  }
0x130: {  	s3 =	sshrl.u32 s0, $0x2  }
.LBB2_25:
0x131: {  	s0 =	simm.s32 $0x5  }
0x132: {  	_ =	swait.ge [sflag:s0], s3  }
0x133: {  	s1 =	ssub.s32 $0x0, s3;
	[sflag:s0] =	ssyncset.done $0x0  }
0x134: {  	[sflag:s0] =	ssyncadd.s32 s1  }
0x135: {  	[sflag:s0] =	ssyncpa.u1 $0x1  }
0x136: {  	s29 =	simm.s32 $0x1;
	_ =	sfence  }
0x137: {  	s30 =	simm.s32 $0x2;
	[sflag:s29] =	ssyncpa.u1 $0x1  }
0x138: {  	[sflag:s30] =	ssyncpa.u1 $0x1  }
0x139: {  	_ =	strace $0x9000004A  }
0x13a: {  	[bflag:$0x2] =	sbarrier.arrive $0xFFFF  }
0x13b: {  	s31 =	rddreg [dreg:$0x1]  }
0x13c: {  	s0 =	sadd.s32 $0x100000, s31  }
0x13d: {  	[sflag:s0] =	ssyncadd.tile.s32 $0x1;
	_ =	shalt  }
.Lfunc_end2:
_tile_overlayer_lowered:
.L_overlay_start_2:
0x13e: {  	(tag) =	ssettag $0x2  }
0x13f: {  	s0 =	rddreg [dreg:$0x0];
	s2 =	stileid.u32  }
0x140: {  	s1 =	rddreg [dreg:$0x1];
	p0 =	sne.s32 s2, $0x0  }
0x141: {  	s3 =	rddreg [dreg:$0x2];
	[bflag:$0x3] =	sbarrier.arrive $0xFFFF;
	s2 =	simm.s32 @!p0 $0x1C01  }
0x142: {  	[timem:s3], [sflag:s2] =	dma.local @!p0 [hbm:s0], s1  }
0x143: {  	s0 =	simm.s32 @!p0 $0x1  }
0x144: {  	_ =	swait.ge @!p0 [sflag:s0], s1  }
0x145: {  	s1 =	ssub.s32 @!p0 $0x0, s1;
	[sflag:s0] =	ssyncset.done @!p0 $0x0  }
0x146: {  	[sflag:s0] =	ssyncadd.s32 @!p0 s1  }
0x147: {  	[bflag:$0x3] =	sbarrier.arrive $0xFFFF  }
0x148: {  	_ =	shalt  }

</sc_bundles>
